<compile_context>
chip_gen: v7x
topology: tpu7x:2x2x1
jax: 0.10.2.dev20260603
libtpu: 0.0.44.dev20260713+nightly
codegen_flags: <defaults>
</compile_context>

<pallas_src>
import functools

import jax
import jax.numpy as jnp
from jax import lax
from jax.experimental import pallas as pl
from jax.experimental.pallas import tpu as pltpu
from jax.experimental.pallas import tpu_sc as plsc

K_TOP = 64
NC, NS = 2, 16
NW = NC * NS
LANES = 16


def _vsort_d(v):
    k, _ = plsc.sort_key_val(v, v, descending=True)
    return k


def _rev(v):
    return lax.rev(v, (0,))


def _merge32(a, b):
    rb = _rev(b)
    hi = _vsort_d(jnp.maximum(a, rb))
    lo = _vsort_d(jnp.minimum(a, rb))
    return hi, lo


def _sort64(v0, v1, v2, v3):
    s0, s1, s2, s3 = _vsort_d(v0), _vsort_d(v1), _vsort_d(v2), _vsort_d(v3)
    h0, l0 = _merge32(s0, s1)
    h1, l1 = _merge32(s2, s3)
    rl1, rh1 = _rev(l1), _rev(h1)
    a0 = jnp.maximum(h0, rl1)
    a1 = jnp.maximum(l0, rh1)
    b0 = jnp.minimum(h0, rl1)
    b1 = jnp.minimum(l0, rh1)
    t0 = _vsort_d(jnp.maximum(a0, a1))
    t1 = _vsort_d(jnp.minimum(a0, a1))
    t2 = _vsort_d(jnp.maximum(b0, b1))
    t3 = _vsort_d(jnp.minimum(b0, b1))
    return t0, t1, t2, t3


def _merge_top64(b0, b1, b2, b3, c0, c1, c2, c3):
    t0 = jnp.maximum(b0, _rev(c3))
    t1 = jnp.maximum(b1, _rev(c2))
    t2 = jnp.maximum(b2, _rev(c1))
    t3 = jnp.maximum(b3, _rev(c0))
    u0 = jnp.maximum(t0, t2)
    u1 = jnp.maximum(t1, t3)
    v0 = jnp.minimum(t0, t2)
    v1 = jnp.minimum(t1, t3)
    o0 = _vsort_d(jnp.maximum(u0, u1))
    o1 = _vsort_d(jnp.minimum(u0, u1))
    o2 = _vsort_d(jnp.maximum(v0, v1))
    o3 = _vsort_d(jnp.minimum(v0, v1))
    return o0, o1, o2, o3


def _make_sc_topk(R, S):
    RPW = R // NW
    RG = 8
    NG = RPW // RG
    NCHUNK = S // 64

    def body(x_hbm, out_hbm, rows_a, rows_b, out_v, sem_a, sem_b):
        wid = lax.axis_index("s") * NC + lax.axis_index("c")
        base = wid * RPW

        def start(g, buf, sem):
            pltpu.async_copy(x_hbm.at[pl.ds(base + g * RG, RG)], buf, sem)

        def wait(buf, sem):
            pltpu.make_async_copy(x_hbm.at[pl.ds(0, RG)], buf, sem).wait()

        def process(rows_v, g, carry):

            def row_pair_body(p, carry):
                ja = 2 * p
                jb = ja + 1

                def load_chunk(j, c):
                    off = c * 64
                    return tuple(
                        rows_v[j, pl.ds(off + LANES * i, LANES)]
                        for i in range(4)
                    )

                bufs = (*_sort64(*load_chunk(ja, 0)),
                        *_sort64(*load_chunk(jb, 0)))

                def chunk_body(c, bufs):
                    csa = _sort64(*load_chunk(ja, c))
                    csb = _sort64(*load_chunk(jb, c))
                    return (*_merge_top64(*bufs[:4], *csa),
                            *_merge_top64(*bufs[4:], *csb))

                bufs = lax.fori_loop(1, NCHUNK, chunk_body, bufs)
                for j, buf in ((ja, bufs[:4]), (jb, bufs[4:])):
                    orow = g * RG + j
                    for i in range(4):
                        out_v[orow, pl.ds(LANES * i, LANES)] = buf[i]
                return carry

            return lax.fori_loop(0, RG // 2, row_pair_body, carry)

        start(0, rows_a, sem_a)

        def two_group_body(t, carry):
            g0 = 2 * t
            wait(rows_a, sem_a)
            start(g0 + 1, rows_b, sem_b)
            process(rows_a, g0, carry)
            wait(rows_b, sem_b)

            @pl.when(t < NG // 2 - 1)
            def _():
                start(g0 + 2, rows_a, sem_a)

            process(rows_b, g0 + 1, carry)
            return carry

        lax.fori_loop(0, NG // 2, two_group_body, 0)
        pltpu.sync_copy(out_v, out_hbm.at[pl.ds(base, RPW)])

    mesh = plsc.VectorSubcoreMesh(
        core_axis_name="c", subcore_axis_name="s",
        num_cores=NC, num_subcores=NS,
    )
    return pl.kernel(
        body,
        out_type=jax.ShapeDtypeStruct((R, K_TOP), jnp.float32),
        mesh=mesh,
        compiler_params=pltpu.CompilerParams(needs_layout_passes=False),
        scratch_types=[
            pltpu.VMEM((RG, S), jnp.float32),
            pltpu.VMEM((RG, S), jnp.float32),
            pltpu.VMEM((RPW, K_TOP), jnp.float32),
            pltpu.SemaphoreType.DMA,
            pltpu.SemaphoreType.DMA,
        ],
    )


def kernel(x):
    B, S, D = x.shape
    xt = jnp.transpose(x, (0, 2, 1)).reshape(B * D, S)
    out2d = _make_sc_topk(B * D, S)(xt)
    return jnp.transpose(out2d.reshape(B, D, K_TOP), (0, 2, 1))

# --- scband reference (transcript-rebuilt; emitter-appended) ---
"""Pipeline reference for scband-top-k-33079838114558 (READ-ONLY COPY).

The authoritative reference and input builder live on the scoring server;
editing this copy changes nothing except your own understanding.
"""

import jax, jax.numpy as jnp
import numpy as np

K_TOP = 64

def setup_inputs(seed: int = 0) -> dict:
    key = jax.random.key(seed)
    x = jax.random.normal(key, (4, 4096, 1024), dtype=jnp.float32)
    return {"x": x}

def reference(x):
    # Top_K layer: transpose [B,S,D]->[B,D,S], top_k over last axis (seq), transpose back -> [B,K,D]
    xt = jnp.transpose(x, (0, 2, 1))
    vals = jax.lax.top_k(xt, K_TOP)[0]  # sorted=True matches sortable=True
    out = jnp.transpose(vals, (0, 2, 1))
    return out

if __name__ == "__main__":
    import jax
    _d = setup_inputs()
    print(jax.jit(kernel)(*tuple(_d.values())))

</pallas_src>

<mosaic_0001>
#map = affine_map<(d0, d1) -> (0, 0)>
module attributes {stable_mosaic.version = 14 : i64} {
  func.func @body(%arg0: i32, %arg1: i32, %arg2: memref<4096x4096xf32, #tpu.memory_space<hbm>>, %arg3: memref<4096x64xf32, #tpu.memory_space<hbm>>, %arg4: memref<8x4096xf32, #tpu.memory_space<vmem>>, %arg5: memref<8x4096xf32, #tpu.memory_space<vmem>>, %arg6: memref<128x64xf32, #tpu.memory_space<vmem>>, %arg7: memref<!tpu.dma_semaphore, #tpu.memory_space<semaphore_mem>>, %arg8: memref<!tpu.dma_semaphore, #tpu.memory_space<semaphore_mem>>) attributes {dimension_semantics = [#tpu.dimension_semantics<core_parallel>, #tpu.dimension_semantics<subcore_parallel>], iteration_bounds = array<i64: 2, 16>, scalar_prefetch = 0 : i64, scratch_operands = 5 : i64, tpu.core_type = #tpu.core_type<sc_vector_subcore>, window_params = [{transform_indices = #map}, {transform_indices = #map}]} {
    %mul3A = arith.constant 2 : i32
    %mul3A_0 = arith.muli %arg1, %mul3A : i32
    %add3A = arith.addi %mul3A_0, %arg0 : i32
    %mul3A_1 = arith.constant 128 : i32
    %mul3A_2 = arith.muli %add3A, %mul3A_1 : i32
    %add3A_3 = arith.constant 0 : i32
    %add3A_4 = arith.addi %mul3A_2, %add3A_3 : i32
    %dma_start3A = arith.constant 0 : i32
    %dma_start3A_5 = tpu.memref_slice %arg2[%add3A_4, %dma_start3A] : memref<4096x4096xf32, #tpu.memory_space<hbm>> -> memref<8x4096xf32, #tpu.memory_space<hbm>>
    %dma_start3A_6 = arith.constant 0 : i32
    %dma_start3A_7 = tpu.memref_slice %arg2[%add3A_4, %dma_start3A_6] : memref<4096x4096xf32, #tpu.memory_space<hbm>> -> memref<8x4096xf32, #tpu.memory_space<hbm>>
    tpu.enqueue_dma source(%dma_start3A_7 : memref<8x4096xf32, #tpu.memory_space<hbm>>) target(%arg4 : memref<8x4096xf32, #tpu.memory_space<vmem>>) target_semaphore(%arg7 : memref<!tpu.dma_semaphore, #tpu.memory_space<semaphore_mem>>)
    %scan3A = arith.constant 0 : i32
    %scan3A_8 = arith.constant 0 : i32
    %scan3A_9 = arith.constant 8 : i32
    %scan3A_10 = arith.addi %scan3A_8, %scan3A_9 : i32
    %scan3A_11 = arith.constant 1 : i32
    scf.for %scan3A_13 = %scan3A_8 to %scan3A_10 step %scan3A_11  : i32 {
      %mul3A_14 = arith.constant 2 : i32
      %mul3A_15 = arith.muli %mul3A_14, %scan3A_13 : i32
      %dma_wait3A = arith.constant 0 : i32
      %dma_wait3A_16 = arith.constant 0 : i32
      %dma_wait3A_17 = tpu.memref_slice %arg2[%dma_wait3A, %dma_wait3A_16] : memref<4096x4096xf32, #tpu.memory_space<hbm>> -> memref<8x4096xf32, #tpu.memory_space<hbm>>
      %dma_wait3A_18 = arith.constant 0 : i32
      %dma_wait3A_19 = arith.constant 0 : i32
      %dma_wait3A_20 = tpu.memref_slice %arg2[%dma_wait3A_18, %dma_wait3A_19] : memref<4096x4096xf32, #tpu.memory_space<hbm>> -> memref<8x4096xf32, #tpu.memory_space<hbm>>
      tpu.wait_dma2 semaphore(%arg7 : memref<!tpu.dma_semaphore, #tpu.memory_space<semaphore_mem>>) src(%dma_wait3A_20 : memref<8x4096xf32, #tpu.memory_space<hbm>>) dst(%arg4 : memref<8x4096xf32, #tpu.memory_space<vmem>>)
      %add3A_21 = arith.constant 1 : i32
      %add3A_22 = arith.addi %mul3A_15, %add3A_21 : i32
      %mul3A_23 = arith.constant 8 : i32
      %mul3A_24 = arith.muli %add3A_22, %mul3A_23 : i32
      %add3A_25 = arith.addi %mul3A_2, %mul3A_24 : i32
      %dma_start3A_26 = arith.constant 0 : i32
      %dma_start3A_27 = tpu.memref_slice %arg2[%add3A_25, %dma_start3A_26] : memref<4096x4096xf32, #tpu.memory_space<hbm>> -> memref<8x4096xf32, #tpu.memory_space<hbm>>
      %dma_start3A_28 = arith.constant 0 : i32
      %dma_start3A_29 = tpu.memref_slice %arg2[%add3A_25, %dma_start3A_28] : memref<4096x4096xf32, #tpu.memory_space<hbm>> -> memref<8x4096xf32, #tpu.memory_space<hbm>>
      tpu.enqueue_dma source(%dma_start3A_29 : memref<8x4096xf32, #tpu.memory_space<hbm>>) target(%arg5 : memref<8x4096xf32, #tpu.memory_space<vmem>>) target_semaphore(%arg8 : memref<!tpu.dma_semaphore, #tpu.memory_space<semaphore_mem>>)
      %scan3A_30 = arith.constant 0 : i32
      %scan3A_31 = arith.constant 4 : i32
      %scan3A_32 = arith.addi %scan3A_30, %scan3A_31 : i32
      %scan3A_33 = arith.constant 1 : i32
      scf.for %scan3A_50 = %scan3A_30 to %scan3A_32 step %scan3A_33  : i32 {
        %mul3A_51 = arith.constant 2 : i32
        %mul3A_52 = arith.muli %mul3A_51, %scan3A_50 : i32
        %add3A_53 = arith.constant 1 : i32
        %add3A_54 = arith.addi %mul3A_52, %add3A_53 : i32
        %get3A = arith.index_cast %mul3A_52 : i32 to index
        %get3A_55 = arith.constant 0 : index
        %get3A_56 = tpu.vector_load %arg4[%get3A, %get3A_55] {strides = array<i32>} : memref<8x4096xf32, #tpu.memory_space<vmem>>, vector<16xf32>,
        %get3A_57 = arith.index_cast %mul3A_52 : i32 to index
        %get3A_58 = arith.constant 16 : index
        %get3A_59 = tpu.vector_load %arg4[%get3A_57, %get3A_58] {strides = array<i32>} : memref<8x4096xf32, #tpu.memory_space<vmem>>, vector<16xf32>,
        %get3A_60 = arith.index_cast %mul3A_52 : i32 to index
        %get3A_61 = arith.constant 32 : index
        %get3A_62 = tpu.vector_load %arg4[%get3A_60, %get3A_61] {strides = array<i32>} : memref<8x4096xf32, #tpu.memory_space<vmem>>, vector<16xf32>,
        %get3A_63 = arith.index_cast %mul3A_52 : i32 to index
        %get3A_64 = arith.constant 48 : index
        %get3A_65 = tpu.vector_load %arg4[%get3A_63, %get3A_64] {strides = array<i32>} : memref<8x4096xf32, #tpu.memory_space<vmem>>, vector<16xf32>,
        %masked_sort3A = arith.constant dense<true> : vector<16xi1>
        %masked_sort3A_66, %masked_sort3A_67, %masked_sort3A_68 = tpu.sort %get3A_56, %get3A_56 masked %masked_sort3A {descending = true} : (vector<16xf32>, vector<16xf32>, vector<16xi1>) -> (vector<16xi1>, vector<16xf32>, vector<16xf32>)
        %masked_sort3A_69 = arith.constant dense<true> : vector<16xi1>
        %masked_sort3A_70, %masked_sort3A_71, %masked_sort3A_72 = tpu.sort %get3A_59, %get3A_59 masked %masked_sort3A_69 {descending = true} : (vector<16xf32>, vector<16xf32>, vector<16xi1>) -> (vector<16xi1>, vector<16xf32>, vector<16xf32>)
        %masked_sort3A_73 = arith.constant dense<true> : vector<16xi1>
        %masked_sort3A_74, %masked_sort3A_75, %masked_sort3A_76 = tpu.sort %get3A_62, %get3A_62 masked %masked_sort3A_73 {descending = true} : (vector<16xf32>, vector<16xf32>, vector<16xi1>) -> (vector<16xi1>, vector<16xf32>, vector<16xf32>)
        %masked_sort3A_77 = arith.constant dense<true> : vector<16xi1>
        %masked_sort3A_78, %masked_sort3A_79, %masked_sort3A_80 = tpu.sort %get3A_65, %get3A_65 masked %masked_sort3A_77 {descending = true} : (vector<16xf32>, vector<16xf32>, vector<16xi1>) -> (vector<16xi1>, vector<16xf32>, vector<16xf32>)
        %rev3A = arith.constant 15 : i32
        %rev3A_81 = vector.broadcast %rev3A : i32 to vector<16xi32>
        %rev3A_82 = tpu.iota {dimensions = array<i32: 0>} : vector<16xi32>
        %rev3A_83 = arith.subi %rev3A_81, %rev3A_82 : vector<16xi32>
        %rev3A_84 = tpu.dynamic_gather %masked_sort3A_71[%rev3A_83] in [0] : vector<16xf32>, vector<16xi32> -> vector<16xf32>
        %max3A = arith.maximumf %masked_sort3A_67, %rev3A_84 : vector<16xf32>
        %masked_sort3A_85 = arith.constant dense<true> : vector<16xi1>
        %masked_sort3A_86, %masked_sort3A_87, %masked_sort3A_88 = tpu.sort %max3A, %max3A masked %masked_sort3A_85 {descending = true} : (vector<16xf32>, vector<16xf32>, vector<16xi1>) -> (vector<16xi1>, vector<16xf32>, vector<16xf32>)
        %min3A = arith.minimumf %masked_sort3A_67, %rev3A_84 : vector<16xf32>
        %masked_sort3A_89 = arith.constant dense<true> : vector<16xi1>
        %masked_sort3A_90, %masked_sort3A_91, %masked_sort3A_92 = tpu.sort %min3A, %min3A masked %masked_sort3A_89 {descending = true} : (vector<16xf32>, vector<16xf32>, vector<16xi1>) -> (vector<16xi1>, vector<16xf32>, vector<16xf32>)
        %rev3A_93 = arith.constant 15 : i32
        %rev3A_94 = vector.broadcast %rev3A_93 : i32 to vector<16xi32>
        %rev3A_95 = tpu.iota {dimensions = array<i32: 0>} : vector<16xi32>
        %rev3A_96 = arith.subi %rev3A_94, %rev3A_95 : vector<16xi32>
        %rev3A_97 = tpu.dynamic_gather %masked_sort3A_79[%rev3A_96] in [0] : vector<16xf32>, vector<16xi32> -> vector<16xf32>
        %max3A_98 = arith.maximumf %masked_sort3A_75, %rev3A_97 : vector<16xf32>
        %masked_sort3A_99 = arith.constant dense<true> : vector<16xi1>
        %masked_sort3A_100, %masked_sort3A_101, %masked_sort3A_102 = tpu.sort %max3A_98, %max3A_98 masked %masked_sort3A_99 {descending = true} : (vector<16xf32>, vector<16xf32>, vector<16xi1>) -> (vector<16xi1>, vector<16xf32>, vector<16xf32>)
        %min3A_103 = arith.minimumf %masked_sort3A_75, %rev3A_97 : vector<16xf32>
        %masked_sort3A_104 = arith.constant dense<true> : vector<16xi1>
        %masked_sort3A_105, %masked_sort3A_106, %masked_sort3A_107 = tpu.sort %min3A_103, %min3A_103 masked %masked_sort3A_104 {descending = true} : (vector<16xf32>, vector<16xf32>, vector<16xi1>) -> (vector<16xi1>, vector<16xf32>, vector<16xf32>)
        %rev3A_108 = arith.constant 15 : i32
        %rev3A_109 = vector.broadcast %rev3A_108 : i32 to vector<16xi32>
        %rev3A_110 = tpu.iota {dimensions = array<i32: 0>} : vector<16xi32>
        %rev3A_111 = arith.subi %rev3A_109, %rev3A_110 : vector<16xi32>
        %rev3A_112 = tpu.dynamic_gather %masked_sort3A_106[%rev3A_111] in [0] : vector<16xf32>, vector<16xi32> -> vector<16xf32>
        %rev3A_113 = arith.constant 15 : i32
        %rev3A_114 = vector.broadcast %rev3A_113 : i32 to vector<16xi32>
        %rev3A_115 = tpu.iota {dimensions = array<i32: 0>} : vector<16xi32>
        %rev3A_116 = arith.subi %rev3A_114, %rev3A_115 : vector<16xi32>
        %rev3A_117 = tpu.dynamic_gather %masked_sort3A_101[%rev3A_116] in [0] : vector<16xf32>, vector<16xi32> -> vector<16xf32>
        %max3A_118 = arith.maximumf %masked_sort3A_87, %rev3A_112 : vector<16xf32>
        %max3A_119 = arith.maximumf %masked_sort3A_91, %rev3A_117 : vector<16xf32>
        %min3A_120 = arith.minimumf %masked_sort3A_87, %rev3A_112 : vector<16xf32>
        %min3A_121 = arith.minimumf %masked_sort3A_91, %rev3A_117 : vector<16xf32>
        %max3A_122 = arith.maximumf %max3A_118, %max3A_119 : vector<16xf32>
        %masked_sort3A_123 = arith.constant dense<true> : vector<16xi1>
        %masked_sort3A_124, %masked_sort3A_125, %masked_sort3A_126 = tpu.sort %max3A_122, %max3A_122 masked %masked_sort3A_123 {descending = true} : (vector<16xf32>, vector<16xf32>, vector<16xi1>) -> (vector<16xi1>, vector<16xf32>, vector<16xf32>)
        %min3A_127 = arith.minimumf %max3A_118, %max3A_119 : vector<16xf32>
        %masked_sort3A_128 = arith.constant dense<true> : vector<16xi1>
        %masked_sort3A_129, %masked_sort3A_130, %masked_sort3A_131 = tpu.sort %min3A_127, %min3A_127 masked %masked_sort3A_128 {descending = true} : (vector<16xf32>, vector<16xf32>, vector<16xi1>) -> (vector<16xi1>, vector<16xf32>, vector<16xf32>)
        %max3A_132 = arith.maximumf %min3A_120, %min3A_121 : vector<16xf32>
        %masked_sort3A_133 = arith.constant dense<true> : vector<16xi1>
        %masked_sort3A_134, %masked_sort3A_135, %masked_sort3A_136 = tpu.sort %max3A_132, %max3A_132 masked %masked_sort3A_133 {descending = true} : (vector<16xf32>, vector<16xf32>, vector<16xi1>) -> (vector<16xi1>, vector<16xf32>, vector<16xf32>)
        %min3A_137 = arith.minimumf %min3A_120, %min3A_121 : vector<16xf32>
        %masked_sort3A_138 = arith.constant dense<true> : vector<16xi1>
        %masked_sort3A_139, %masked_sort3A_140, %masked_sort3A_141 = tpu.sort %min3A_137, %min3A_137 masked %masked_sort3A_138 {descending = true} : (vector<16xf32>, vector<16xf32>, vector<16xi1>) -> (vector<16xi1>, vector<16xf32>, vector<16xf32>)
        %get3A_142 = arith.index_cast %add3A_54 : i32 to index
        %get3A_143 = arith.constant 0 : index
        %get3A_144 = tpu.vector_load %arg4[%get3A_142, %get3A_143] {strides = array<i32>} : memref<8x4096xf32, #tpu.memory_space<vmem>>, vector<16xf32>,
        %get3A_145 = arith.index_cast %add3A_54 : i32 to index
        %get3A_146 = arith.constant 16 : index
        %get3A_147 = tpu.vector_load %arg4[%get3A_145, %get3A_146] {strides = array<i32>} : memref<8x4096xf32, #tpu.memory_space<vmem>>, vector<16xf32>,
        %get3A_148 = arith.index_cast %add3A_54 : i32 to index
        %get3A_149 = arith.constant 32 : index
        %get3A_150 = tpu.vector_load %arg4[%get3A_148, %get3A_149] {strides = array<i32>} : memref<8x4096xf32, #tpu.memory_space<vmem>>, vector<16xf32>,
        %get3A_151 = arith.index_cast %add3A_54 : i32 to index
        %get3A_152 = arith.constant 48 : index
        %get3A_153 = tpu.vector_load %arg4[%get3A_151, %get3A_152] {strides = array<i32>} : memref<8x4096xf32, #tpu.memory_space<vmem>>, vector<16xf32>,
        %masked_sort3A_154 = arith.constant dense<true> : vector<16xi1>
        %masked_sort3A_155, %masked_sort3A_156, %masked_sort3A_157 = tpu.sort %get3A_144, %get3A_144 masked %masked_sort3A_154 {descending = true} : (vector<16xf32>, vector<16xf32>, vector<16xi1>) -> (vector<16xi1>, vector<16xf32>, vector<16xf32>)
        %masked_sort3A_158 = arith.constant dense<true> : vector<16xi1>
        %masked_sort3A_159, %masked_sort3A_160, %masked_sort3A_161 = tpu.sort %get3A_147, %get3A_147 masked %masked_sort3A_158 {descending = true} : (vector<16xf32>, vector<16xf32>, vector<16xi1>) -> (vector<16xi1>, vector<16xf32>, vector<16xf32>)
        %masked_sort3A_162 = arith.constant dense<true> : vector<16xi1>
        %masked_sort3A_163, %masked_sort3A_164, %masked_sort3A_165 = tpu.sort %get3A_150, %get3A_150 masked %masked_sort3A_162 {descending = true} : (vector<16xf32>, vector<16xf32>, vector<16xi1>) -> (vector<16xi1>, vector<16xf32>, vector<16xf32>)
        %masked_sort3A_166 = arith.constant dense<true> : vector<16xi1>
        %masked_sort3A_167, %masked_sort3A_168, %masked_sort3A_169 = tpu.sort %get3A_153, %get3A_153 masked %masked_sort3A_166 {descending = true} : (vector<16xf32>, vector<16xf32>, vector<16xi1>) -> (vector<16xi1>, vector<16xf32>, vector<16xf32>)
        %rev3A_170 = arith.constant 15 : i32
        %rev3A_171 = vector.broadcast %rev3A_170 : i32 to vector<16xi32>
        %rev3A_172 = tpu.iota {dimensions = array<i32: 0>} : vector<16xi32>
        %rev3A_173 = arith.subi %rev3A_171, %rev3A_172 : vector<16xi32>
        %rev3A_174 = tpu.dynamic_gather %masked_sort3A_160[%rev3A_173] in [0] : vector<16xf32>, vector<16xi32> -> vector<16xf32>
        %max3A_175 = arith.maximumf %masked_sort3A_156, %rev3A_174 : vector<16xf32>
        %masked_sort3A_176 = arith.constant dense<true> : vector<16xi1>
        %masked_sort3A_177, %masked_sort3A_178, %masked_sort3A_179 = tpu.sort %max3A_175, %max3A_175 masked %masked_sort3A_176 {descending = true} : (vector<16xf32>, vector<16xf32>, vector<16xi1>) -> (vector<16xi1>, vector<16xf32>, vector<16xf32>)
        %min3A_180 = arith.minimumf %masked_sort3A_156, %rev3A_174 : vector<16xf32>
        %masked_sort3A_181 = arith.constant dense<true> : vector<16xi1>
        %masked_sort3A_182, %masked_sort3A_183, %masked_sort3A_184 = tpu.sort %min3A_180, %min3A_180 masked %masked_sort3A_181 {descending = true} : (vector<16xf32>, vector<16xf32>, vector<16xi1>) -> (vector<16xi1>, vector<16xf32>, vector<16xf32>)
        %rev3A_185 = arith.constant 15 : i32
        %rev3A_186 = vector.broadcast %rev3A_185 : i32 to vector<16xi32>
        %rev3A_187 = tpu.iota {dimensions = array<i32: 0>} : vector<16xi32>
        %rev3A_188 = arith.subi %rev3A_186, %rev3A_187 : vector<16xi32>
        %rev3A_189 = tpu.dynamic_gather %masked_sort3A_168[%rev3A_188] in [0] : vector<16xf32>, vector<16xi32> -> vector<16xf32>
        %max3A_190 = arith.maximumf %masked_sort3A_164, %rev3A_189 : vector<16xf32>
        %masked_sort3A_191 = arith.constant dense<true> : vector<16xi1>
        %masked_sort3A_192, %masked_sort3A_193, %masked_sort3A_194 = tpu.sort %max3A_190, %max3A_190 masked %masked_sort3A_191 {descending = true} : (vector<16xf32>, vector<16xf32>, vector<16xi1>) -> (vector<16xi1>, vector<16xf32>, vector<16xf32>)
        %min3A_195 = arith.minimumf %masked_sort3A_164, %rev3A_189 : vector<16xf32>
        %masked_sort3A_196 = arith.constant dense<true> : vector<16xi1>
        %masked_sort3A_197, %masked_sort3A_198, %masked_sort3A_199 = tpu.sort %min3A_195, %min3A_195 masked %masked_sort3A_196 {descending = true} : (vector<16xf32>, vector<16xf32>, vector<16xi1>) -> (vector<16xi1>, vector<16xf32>, vector<16xf32>)
        %rev3A_200 = arith.constant 15 : i32
        %rev3A_201 = vector.broadcast %rev3A_200 : i32 to vector<16xi32>
        %rev3A_202 = tpu.iota {dimensions = array<i32: 0>} : vector<16xi32>
        %rev3A_203 = arith.subi %rev3A_201, %rev3A_202 : vector<16xi32>
        %rev3A_204 = tpu.dynamic_gather %masked_sort3A_198[%rev3A_203] in [0] : vector<16xf32>, vector<16xi32> -> vector<16xf32>
        %rev3A_205 = arith.constant 15 : i32
        %rev3A_206 = vector.broadcast %rev3A_205 : i32 to vector<16xi32>
        %rev3A_207 = tpu.iota {dimensions = array<i32: 0>} : vector<16xi32>
        %rev3A_208 = arith.subi %rev3A_206, %rev3A_207 : vector<16xi32>
        %rev3A_209 = tpu.dynamic_gather %masked_sort3A_193[%rev3A_208] in [0] : vector<16xf32>, vector<16xi32> -> vector<16xf32>
        %max3A_210 = arith.maximumf %masked_sort3A_178, %rev3A_204 : vector<16xf32>
        %max3A_211 = arith.maximumf %masked_sort3A_183, %rev3A_209 : vector<16xf32>
        %min3A_212 = arith.minimumf %masked_sort3A_178, %rev3A_204 : vector<16xf32>
        %min3A_213 = arith.minimumf %masked_sort3A_183, %rev3A_209 : vector<16xf32>
        %max3A_214 = arith.maximumf %max3A_210, %max3A_211 : vector<16xf32>
        %masked_sort3A_215 = arith.constant dense<true> : vector<16xi1>
        %masked_sort3A_216, %masked_sort3A_217, %masked_sort3A_218 = tpu.sort %max3A_214, %max3A_214 masked %masked_sort3A_215 {descending = true} : (vector<16xf32>, vector<16xf32>, vector<16xi1>) -> (vector<16xi1>, vector<16xf32>, vector<16xf32>)
        %min3A_219 = arith.minimumf %max3A_210, %max3A_211 : vector<16xf32>
        %masked_sort3A_220 = arith.constant dense<true> : vector<16xi1>
        %masked_sort3A_221, %masked_sort3A_222, %masked_sort3A_223 = tpu.sort %min3A_219, %min3A_219 masked %masked_sort3A_220 {descending = true} : (vector<16xf32>, vector<16xf32>, vector<16xi1>) -> (vector<16xi1>, vector<16xf32>, vector<16xf32>)
        %max3A_224 = arith.maximumf %min3A_212, %min3A_213 : vector<16xf32>
        %masked_sort3A_225 = arith.constant dense<true> : vector<16xi1>
        %masked_sort3A_226, %masked_sort3A_227, %masked_sort3A_228 = tpu.sort %max3A_224, %max3A_224 masked %masked_sort3A_225 {descending = true} : (vector<16xf32>, vector<16xf32>, vector<16xi1>) -> (vector<16xi1>, vector<16xf32>, vector<16xf32>)
        %min3A_229 = arith.minimumf %min3A_212, %min3A_213 : vector<16xf32>
        %masked_sort3A_230 = arith.constant dense<true> : vector<16xi1>
        %masked_sort3A_231, %masked_sort3A_232, %masked_sort3A_233 = tpu.sort %min3A_229, %min3A_229 masked %masked_sort3A_230 {descending = true} : (vector<16xf32>, vector<16xf32>, vector<16xi1>) -> (vector<16xi1>, vector<16xf32>, vector<16xf32>)
        %scan3A_234 = arith.constant 1 : i32
        %scan3A_235 = arith.constant 63 : i32
        %scan3A_236 = arith.addi %scan3A_234, %scan3A_235 : i32
        %scan3A_237 = arith.constant 1 : i32
        %scan3A_238:8 = scf.for %scan3A_269 = %scan3A_234 to %scan3A_236 step %scan3A_237 iter_args(%scan3A_270 = %masked_sort3A_125, %scan3A_271 = %masked_sort3A_130, %scan3A_272 = %masked_sort3A_135, %scan3A_273 = %masked_sort3A_140, %scan3A_274 = %masked_sort3A_217, %scan3A_275 = %masked_sort3A_222, %scan3A_276 = %masked_sort3A_227, %scan3A_277 = %masked_sort3A_232) -> (vector<16xf32>, vector<16xf32>, vector<16xf32>, vector<16xf32>, vector<16xf32>, vector<16xf32>, vector<16xf32>, vector<16xf32>)  : i32 {
          %mul3A_278 = arith.constant 64 : i32
          %mul3A_279 = arith.muli %scan3A_269, %mul3A_278 : i32
          %add3A_280 = arith.constant 0 : i32
          %add3A_281 = arith.addi %mul3A_279, %add3A_280 : i32
          %get3A_282 = arith.index_cast %mul3A_52 : i32 to index
          %get3A_283 = arith.index_cast %add3A_281 : i32 to index
          %get3A_284 = tpu.vector_load %arg4[%get3A_282, %get3A_283] {strides = array<i32>} : memref<8x4096xf32, #tpu.memory_space<vmem>>, vector<16xf32>,
          %add3A_285 = arith.constant 16 : i32
          %add3A_286 = arith.addi %mul3A_279, %add3A_285 : i32
          %get3A_287 = arith.index_cast %mul3A_52 : i32 to index
          %get3A_288 = arith.index_cast %add3A_286 : i32 to index
          %get3A_289 = tpu.vector_load %arg4[%get3A_287, %get3A_288] {strides = array<i32>} : memref<8x4096xf32, #tpu.memory_space<vmem>>, vector<16xf32>,
          %add3A_290 = arith.constant 32 : i32
          %add3A_291 = arith.addi %mul3A_279, %add3A_290 : i32
          %get3A_292 = arith.index_cast %mul3A_52 : i32 to index
          %get3A_293 = arith.index_cast %add3A_291 : i32 to index
          %get3A_294 = tpu.vector_load %arg4[%get3A_292, %get3A_293] {strides = array<i32>} : memref<8x4096xf32, #tpu.memory_space<vmem>>, vector<16xf32>,
          %add3A_295 = arith.constant 48 : i32
          %add3A_296 = arith.addi %mul3A_279, %add3A_295 : i32
          %get3A_297 = arith.index_cast %mul3A_52 : i32 to index
          %get3A_298 = arith.index_cast %add3A_296 : i32 to index
          %get3A_299 = tpu.vector_load %arg4[%get3A_297, %get3A_298] {strides = array<i32>} : memref<8x4096xf32, #tpu.memory_space<vmem>>, vector<16xf32>,
          %masked_sort3A_300 = arith.constant dense<true> : vector<16xi1>
          %masked_sort3A_301, %masked_sort3A_302, %masked_sort3A_303 = tpu.sort %get3A_284, %get3A_284 masked %masked_sort3A_300 {descending = true} : (vector<16xf32>, vector<16xf32>, vector<16xi1>) -> (vector<16xi1>, vector<16xf32>, vector<16xf32>)
          %masked_sort3A_304 = arith.constant dense<true> : vector<16xi1>
          %masked_sort3A_305, %masked_sort3A_306, %masked_sort3A_307 = tpu.sort %get3A_289, %get3A_289 masked %masked_sort3A_304 {descending = true} : (vector<16xf32>, vector<16xf32>, vector<16xi1>) -> (vector<16xi1>, vector<16xf32>, vector<16xf32>)
          %masked_sort3A_308 = arith.constant dense<true> : vector<16xi1>
          %masked_sort3A_309, %masked_sort3A_310, %masked_sort3A_311 = tpu.sort %get3A_294, %get3A_294 masked %masked_sort3A_308 {descending = true} : (vector<16xf32>, vector<16xf32>, vector<16xi1>) -> (vector<16xi1>, vector<16xf32>, vector<16xf32>)
          %masked_sort3A_312 = arith.constant dense<true> : vector<16xi1>
          %masked_sort3A_313, %masked_sort3A_314, %masked_sort3A_315 = tpu.sort %get3A_299, %get3A_299 masked %masked_sort3A_312 {descending = true} : (vector<16xf32>, vector<16xf32>, vector<16xi1>) -> (vector<16xi1>, vector<16xf32>, vector<16xf32>)
          %rev3A_316 = arith.constant 15 : i32
          %rev3A_317 = vector.broadcast %rev3A_316 : i32 to vector<16xi32>
          %rev3A_318 = tpu.iota {dimensions = array<i32: 0>} : vector<16xi32>
          %rev3A_319 = arith.subi %rev3A_317, %rev3A_318 : vector<16xi32>
          %rev3A_320 = tpu.dynamic_gather %masked_sort3A_306[%rev3A_319] in [0] : vector<16xf32>, vector<16xi32> -> vector<16xf32>
          %max3A_321 = arith.maximumf %masked_sort3A_302, %rev3A_320 : vector<16xf32>
          %masked_sort3A_322 = arith.constant dense<true> : vector<16xi1>
          %masked_sort3A_323, %masked_sort3A_324, %masked_sort3A_325 = tpu.sort %max3A_321, %max3A_321 masked %masked_sort3A_322 {descending = true} : (vector<16xf32>, vector<16xf32>, vector<16xi1>) -> (vector<16xi1>, vector<16xf32>, vector<16xf32>)
          %min3A_326 = arith.minimumf %masked_sort3A_302, %rev3A_320 : vector<16xf32>
          %masked_sort3A_327 = arith.constant dense<true> : vector<16xi1>
          %masked_sort3A_328, %masked_sort3A_329, %masked_sort3A_330 = tpu.sort %min3A_326, %min3A_326 masked %masked_sort3A_327 {descending = true} : (vector<16xf32>, vector<16xf32>, vector<16xi1>) -> (vector<16xi1>, vector<16xf32>, vector<16xf32>)
          %rev3A_331 = arith.constant 15 : i32
          %rev3A_332 = vector.broadcast %rev3A_331 : i32 to vector<16xi32>
          %rev3A_333 = tpu.iota {dimensions = array<i32: 0>} : vector<16xi32>
          %rev3A_334 = arith.subi %rev3A_332, %rev3A_333 : vector<16xi32>
          %rev3A_335 = tpu.dynamic_gather %masked_sort3A_314[%rev3A_334] in [0] : vector<16xf32>, vector<16xi32> -> vector<16xf32>
          %max3A_336 = arith.maximumf %masked_sort3A_310, %rev3A_335 : vector<16xf32>
          %masked_sort3A_337 = arith.constant dense<true> : vector<16xi1>
          %masked_sort3A_338, %masked_sort3A_339, %masked_sort3A_340 = tpu.sort %max3A_336, %max3A_336 masked %masked_sort3A_337 {descending = true} : (vector<16xf32>, vector<16xf32>, vector<16xi1>) -> (vector<16xi1>, vector<16xf32>, vector<16xf32>)
          %min3A_341 = arith.minimumf %masked_sort3A_310, %rev3A_335 : vector<16xf32>
          %masked_sort3A_342 = arith.constant dense<true> : vector<16xi1>
          %masked_sort3A_343, %masked_sort3A_344, %masked_sort3A_345 = tpu.sort %min3A_341, %min3A_341 masked %masked_sort3A_342 {descending = true} : (vector<16xf32>, vector<16xf32>, vector<16xi1>) -> (vector<16xi1>, vector<16xf32>, vector<16xf32>)
          %rev3A_346 = arith.constant 15 : i32
          %rev3A_347 = vector.broadcast %rev3A_346 : i32 to vector<16xi32>
          %rev3A_348 = tpu.iota {dimensions = array<i32: 0>} : vector<16xi32>
          %rev3A_349 = arith.subi %rev3A_347, %rev3A_348 : vector<16xi32>
          %rev3A_350 = tpu.dynamic_gather %masked_sort3A_344[%rev3A_349] in [0] : vector<16xf32>, vector<16xi32> -> vector<16xf32>
          %rev3A_351 = arith.constant 15 : i32
          %rev3A_352 = vector.broadcast %rev3A_351 : i32 to vector<16xi32>
          %rev3A_353 = tpu.iota {dimensions = array<i32: 0>} : vector<16xi32>
          %rev3A_354 = arith.subi %rev3A_352, %rev3A_353 : vector<16xi32>
          %rev3A_355 = tpu.dynamic_gather %masked_sort3A_339[%rev3A_354] in [0] : vector<16xf32>, vector<16xi32> -> vector<16xf32>
          %max3A_356 = arith.maximumf %masked_sort3A_324, %rev3A_350 : vector<16xf32>
          %max3A_357 = arith.maximumf %masked_sort3A_329, %rev3A_355 : vector<16xf32>
          %min3A_358 = arith.minimumf %masked_sort3A_324, %rev3A_350 : vector<16xf32>
          %min3A_359 = arith.minimumf %masked_sort3A_329, %rev3A_355 : vector<16xf32>
          %max3A_360 = arith.maximumf %max3A_356, %max3A_357 : vector<16xf32>
          %masked_sort3A_361 = arith.constant dense<true> : vector<16xi1>
          %masked_sort3A_362, %masked_sort3A_363, %masked_sort3A_364 = tpu.sort %max3A_360, %max3A_360 masked %masked_sort3A_361 {descending = true} : (vector<16xf32>, vector<16xf32>, vector<16xi1>) -> (vector<16xi1>, vector<16xf32>, vector<16xf32>)
          %min3A_365 = arith.minimumf %max3A_356, %max3A_357 : vector<16xf32>
          %masked_sort3A_366 = arith.constant dense<true> : vector<16xi1>
          %masked_sort3A_367, %masked_sort3A_368, %masked_sort3A_369 = tpu.sort %min3A_365, %min3A_365 masked %masked_sort3A_366 {descending = true} : (vector<16xf32>, vector<16xf32>, vector<16xi1>) -> (vector<16xi1>, vector<16xf32>, vector<16xf32>)
          %max3A_370 = arith.maximumf %min3A_358, %min3A_359 : vector<16xf32>
          %masked_sort3A_371 = arith.constant dense<true> : vector<16xi1>
          %masked_sort3A_372, %masked_sort3A_373, %masked_sort3A_374 = tpu.sort %max3A_370, %max3A_370 masked %masked_sort3A_371 {descending = true} : (vector<16xf32>, vector<16xf32>, vector<16xi1>) -> (vector<16xi1>, vector<16xf32>, vector<16xf32>)
          %min3A_375 = arith.minimumf %min3A_358, %min3A_359 : vector<16xf32>
          %masked_sort3A_376 = arith.constant dense<true> : vector<16xi1>
          %masked_sort3A_377, %masked_sort3A_378, %masked_sort3A_379 = tpu.sort %min3A_375, %min3A_375 masked %masked_sort3A_376 {descending = true} : (vector<16xf32>, vector<16xf32>, vector<16xi1>) -> (vector<16xi1>, vector<16xf32>, vector<16xf32>)
          %mul3A_380 = arith.constant 64 : i32
          %mul3A_381 = arith.muli %scan3A_269, %mul3A_380 : i32
          %add3A_382 = arith.constant 0 : i32
          %add3A_383 = arith.addi %mul3A_381, %add3A_382 : i32
          %get3A_384 = arith.index_cast %add3A_54 : i32 to index
          %get3A_385 = arith.index_cast %add3A_383 : i32 to index
          %get3A_386 = tpu.vector_load %arg4[%get3A_384, %get3A_385] {strides = array<i32>} : memref<8x4096xf32, #tpu.memory_space<vmem>>, vector<16xf32>,
          %add3A_387 = arith.constant 16 : i32
          %add3A_388 = arith.addi %mul3A_381, %add3A_387 : i32
          %get3A_389 = arith.index_cast %add3A_54 : i32 to index
          %get3A_390 = arith.index_cast %add3A_388 : i32 to index
          %get3A_391 = tpu.vector_load %arg4[%get3A_389, %get3A_390] {strides = array<i32>} : memref<8x4096xf32, #tpu.memory_space<vmem>>, vector<16xf32>,
          %add3A_392 = arith.constant 32 : i32
          %add3A_393 = arith.addi %mul3A_381, %add3A_392 : i32
          %get3A_394 = arith.index_cast %add3A_54 : i32 to index
          %get3A_395 = arith.index_cast %add3A_393 : i32 to index
          %get3A_396 = tpu.vector_load %arg4[%get3A_394, %get3A_395] {strides = array<i32>} : memref<8x4096xf32, #tpu.memory_space<vmem>>, vector<16xf32>,
          %add3A_397 = arith.constant 48 : i32
          %add3A_398 = arith.addi %mul3A_381, %add3A_397 : i32
          %get3A_399 = arith.index_cast %add3A_54 : i32 to index
          %get3A_400 = arith.index_cast %add3A_398 : i32 to index
          %get3A_401 = tpu.vector_load %arg4[%get3A_399, %get3A_400] {strides = array<i32>} : memref<8x4096xf32, #tpu.memory_space<vmem>>, vector<16xf32>,
          %masked_sort3A_402 = arith.constant dense<true> : vector<16xi1>
          %masked_sort3A_403, %masked_sort3A_404, %masked_sort3A_405 = tpu.sort %get3A_386, %get3A_386 masked %masked_sort3A_402 {descending = true} : (vector<16xf32>, vector<16xf32>, vector<16xi1>) -> (vector<16xi1>, vector<16xf32>, vector<16xf32>)
          %masked_sort3A_406 = arith.constant dense<true> : vector<16xi1>
          %masked_sort3A_407, %masked_sort3A_408, %masked_sort3A_409 = tpu.sort %get3A_391, %get3A_391 masked %masked_sort3A_406 {descending = true} : (vector<16xf32>, vector<16xf32>, vector<16xi1>) -> (vector<16xi1>, vector<16xf32>, vector<16xf32>)
          %masked_sort3A_410 = arith.constant dense<true> : vector<16xi1>
          %masked_sort3A_411, %masked_sort3A_412, %masked_sort3A_413 = tpu.sort %get3A_396, %get3A_396 masked %masked_sort3A_410 {descending = true} : (vector<16xf32>, vector<16xf32>, vector<16xi1>) -> (vector<16xi1>, vector<16xf32>, vector<16xf32>)
          %masked_sort3A_414 = arith.constant dense<true> : vector<16xi1>
          %masked_sort3A_415, %masked_sort3A_416, %masked_sort3A_417 = tpu.sort %get3A_401, %get3A_401 masked %masked_sort3A_414 {descending = true} : (vector<16xf32>, vector<16xf32>, vector<16xi1>) -> (vector<16xi1>, vector<16xf32>, vector<16xf32>)
          %rev3A_418 = arith.constant 15 : i32
          %rev3A_419 = vector.broadcast %rev3A_418 : i32 to vector<16xi32>
          %rev3A_420 = tpu.iota {dimensions = array<i32: 0>} : vector<16xi32>
          %rev3A_421 = arith.subi %rev3A_419, %rev3A_420 : vector<16xi32>
          %rev3A_422 = tpu.dynamic_gather %masked_sort3A_408[%rev3A_421] in [0] : vector<16xf32>, vector<16xi32> -> vector<16xf32>
          %max3A_423 = arith.maximumf %masked_sort3A_404, %rev3A_422 : vector<16xf32>
          %masked_sort3A_424 = arith.constant dense<true> : vector<16xi1>
          %masked_sort3A_425, %masked_sort3A_426, %masked_sort3A_427 = tpu.sort %max3A_423, %max3A_423 masked %masked_sort3A_424 {descending = true} : (vector<16xf32>, vector<16xf32>, vector<16xi1>) -> (vector<16xi1>, vector<16xf32>, vector<16xf32>)
          %min3A_428 = arith.minimumf %masked_sort3A_404, %rev3A_422 : vector<16xf32>
          %masked_sort3A_429 = arith.constant dense<true> : vector<16xi1>
          %masked_sort3A_430, %masked_sort3A_431, %masked_sort3A_432 = tpu.sort %min3A_428, %min3A_428 masked %masked_sort3A_429 {descending = true} : (vector<16xf32>, vector<16xf32>, vector<16xi1>) -> (vector<16xi1>, vector<16xf32>, vector<16xf32>)
          %rev3A_433 = arith.constant 15 : i32
          %rev3A_434 = vector.broadcast %rev3A_433 : i32 to vector<16xi32>
          %rev3A_435 = tpu.iota {dimensions = array<i32: 0>} : vector<16xi32>
          %rev3A_436 = arith.subi %rev3A_434, %rev3A_435 : vector<16xi32>
          %rev3A_437 = tpu.dynamic_gather %masked_sort3A_416[%rev3A_436] in [0] : vector<16xf32>, vector<16xi32> -> vector<16xf32>
          %max3A_438 = arith.maximumf %masked_sort3A_412, %rev3A_437 : vector<16xf32>
          %masked_sort3A_439 = arith.constant dense<true> : vector<16xi1>
          %masked_sort3A_440, %masked_sort3A_441, %masked_sort3A_442 = tpu.sort %max3A_438, %max3A_438 masked %masked_sort3A_439 {descending = true} : (vector<16xf32>, vector<16xf32>, vector<16xi1>) -> (vector<16xi1>, vector<16xf32>, vector<16xf32>)
          %min3A_443 = arith.minimumf %masked_sort3A_412, %rev3A_437 : vector<16xf32>
          %masked_sort3A_444 = arith.constant dense<true> : vector<16xi1>
          %masked_sort3A_445, %masked_sort3A_446, %masked_sort3A_447 = tpu.sort %min3A_443, %min3A_443 masked %masked_sort3A_444 {descending = true} : (vector<16xf32>, vector<16xf32>, vector<16xi1>) -> (vector<16xi1>, vector<16xf32>, vector<16xf32>)
          %rev3A_448 = arith.constant 15 : i32
          %rev3A_449 = vector.broadcast %rev3A_448 : i32 to vector<16xi32>
          %rev3A_450 = tpu.iota {dimensions = array<i32: 0>} : vector<16xi32>
          %rev3A_451 = arith.subi %rev3A_449, %rev3A_450 : vector<16xi32>
          %rev3A_452 = tpu.dynamic_gather %masked_sort3A_446[%rev3A_451] in [0] : vector<16xf32>, vector<16xi32> -> vector<16xf32>
          %rev3A_453 = arith.constant 15 : i32
          %rev3A_454 = vector.broadcast %rev3A_453 : i32 to vector<16xi32>
          %rev3A_455 = tpu.iota {dimensions = array<i32: 0>} : vector<16xi32>
          %rev3A_456 = arith.subi %rev3A_454, %rev3A_455 : vector<16xi32>
          %rev3A_457 = tpu.dynamic_gather %masked_sort3A_441[%rev3A_456] in [0] : vector<16xf32>, vector<16xi32> -> vector<16xf32>
          %max3A_458 = arith.maximumf %masked_sort3A_426, %rev3A_452 : vector<16xf32>
          %max3A_459 = arith.maximumf %masked_sort3A_431, %rev3A_457 : vector<16xf32>
          %min3A_460 = arith.minimumf %masked_sort3A_426, %rev3A_452 : vector<16xf32>
          %min3A_461 = arith.minimumf %masked_sort3A_431, %rev3A_457 : vector<16xf32>
          %max3A_462 = arith.maximumf %max3A_458, %max3A_459 : vector<16xf32>
          %masked_sort3A_463 = arith.constant dense<true> : vector<16xi1>
          %masked_sort3A_464, %masked_sort3A_465, %masked_sort3A_466 = tpu.sort %max3A_462, %max3A_462 masked %masked_sort3A_463 {descending = true} : (vector<16xf32>, vector<16xf32>, vector<16xi1>) -> (vector<16xi1>, vector<16xf32>, vector<16xf32>)
          %min3A_467 = arith.minimumf %max3A_458, %max3A_459 : vector<16xf32>
          %masked_sort3A_468 = arith.constant dense<true> : vector<16xi1>
          %masked_sort3A_469, %masked_sort3A_470, %masked_sort3A_471 = tpu.sort %min3A_467, %min3A_467 masked %masked_sort3A_468 {descending = true} : (vector<16xf32>, vector<16xf32>, vector<16xi1>) -> (vector<16xi1>, vector<16xf32>, vector<16xf32>)
          %max3A_472 = arith.maximumf %min3A_460, %min3A_461 : vector<16xf32>
          %masked_sort3A_473 = arith.constant dense<true> : vector<16xi1>
          %masked_sort3A_474, %masked_sort3A_475, %masked_sort3A_476 = tpu.sort %max3A_472, %max3A_472 masked %masked_sort3A_473 {descending = true} : (vector<16xf32>, vector<16xf32>, vector<16xi1>) -> (vector<16xi1>, vector<16xf32>, vector<16xf32>)
          %min3A_477 = arith.minimumf %min3A_460, %min3A_461 : vector<16xf32>
          %masked_sort3A_478 = arith.constant dense<true> : vector<16xi1>
          %masked_sort3A_479, %masked_sort3A_480, %masked_sort3A_481 = tpu.sort %min3A_477, %min3A_477 masked %masked_sort3A_478 {descending = true} : (vector<16xf32>, vector<16xf32>, vector<16xi1>) -> (vector<16xi1>, vector<16xf32>, vector<16xf32>)
          %rev3A_482 = arith.constant 15 : i32
          %rev3A_483 = vector.broadcast %rev3A_482 : i32 to vector<16xi32>
          %rev3A_484 = tpu.iota {dimensions = array<i32: 0>} : vector<16xi32>
          %rev3A_485 = arith.subi %rev3A_483, %rev3A_484 : vector<16xi32>
          %rev3A_486 = tpu.dynamic_gather %masked_sort3A_378[%rev3A_485] in [0] : vector<16xf32>, vector<16xi32> -> vector<16xf32>
          %max3A_487 = arith.maximumf %scan3A_270, %rev3A_486 : vector<16xf32>
          %rev3A_488 = arith.constant 15 : i32
          %rev3A_489 = vector.broadcast %rev3A_488 : i32 to vector<16xi32>
          %rev3A_490 = tpu.iota {dimensions = array<i32: 0>} : vector<16xi32>
          %rev3A_491 = arith.subi %rev3A_489, %rev3A_490 : vector<16xi32>
          %rev3A_492 = tpu.dynamic_gather %masked_sort3A_373[%rev3A_491] in [0] : vector<16xf32>, vector<16xi32> -> vector<16xf32>
          %max3A_493 = arith.maximumf %scan3A_271, %rev3A_492 : vector<16xf32>
          %rev3A_494 = arith.constant 15 : i32
          %rev3A_495 = vector.broadcast %rev3A_494 : i32 to vector<16xi32>
          %rev3A_496 = tpu.iota {dimensions = array<i32: 0>} : vector<16xi32>
          %rev3A_497 = arith.subi %rev3A_495, %rev3A_496 : vector<16xi32>
          %rev3A_498 = tpu.dynamic_gather %masked_sort3A_368[%rev3A_497] in [0] : vector<16xf32>, vector<16xi32> -> vector<16xf32>
          %max3A_499 = arith.maximumf %scan3A_272, %rev3A_498 : vector<16xf32>
          %rev3A_500 = arith.constant 15 : i32
          %rev3A_501 = vector.broadcast %rev3A_500 : i32 to vector<16xi32>
          %rev3A_502 = tpu.iota {dimensions = array<i32: 0>} : vector<16xi32>
          %rev3A_503 = arith.subi %rev3A_501, %rev3A_502 : vector<16xi32>
          %rev3A_504 = tpu.dynamic_gather %masked_sort3A_363[%rev3A_503] in [0] : vector<16xf32>, vector<16xi32> -> vector<16xf32>
          %max3A_505 = arith.maximumf %scan3A_273, %rev3A_504 : vector<16xf32>
          %max3A_506 = arith.maximumf %max3A_487, %max3A_499 : vector<16xf32>
          %max3A_507 = arith.maximumf %max3A_493, %max3A_505 : vector<16xf32>
          %min3A_508 = arith.minimumf %max3A_487, %max3A_499 : vector<16xf32>
          %min3A_509 = arith.minimumf %max3A_493, %max3A_505 : vector<16xf32>
          %max3A_510 = arith.maximumf %max3A_506, %max3A_507 : vector<16xf32>
          %masked_sort3A_511 = arith.constant dense<true> : vector<16xi1>
          %masked_sort3A_512, %masked_sort3A_513, %masked_sort3A_514 = tpu.sort %max3A_510, %max3A_510 masked %masked_sort3A_511 {descending = true} : (vector<16xf32>, vector<16xf32>, vector<16xi1>) -> (vector<16xi1>, vector<16xf32>, vector<16xf32>)
          %min3A_515 = arith.minimumf %max3A_506, %max3A_507 : vector<16xf32>
          %masked_sort3A_516 = arith.constant dense<true> : vector<16xi1>
          %masked_sort3A_517, %masked_sort3A_518, %masked_sort3A_519 = tpu.sort %min3A_515, %min3A_515 masked %masked_sort3A_516 {descending = true} : (vector<16xf32>, vector<16xf32>, vector<16xi1>) -> (vector<16xi1>, vector<16xf32>, vector<16xf32>)
          %max3A_520 = arith.maximumf %min3A_508, %min3A_509 : vector<16xf32>
          %masked_sort3A_521 = arith.constant dense<true> : vector<16xi1>
          %masked_sort3A_522, %masked_sort3A_523, %masked_sort3A_524 = tpu.sort %max3A_520, %max3A_520 masked %masked_sort3A_521 {descending = true} : (vector<16xf32>, vector<16xf32>, vector<16xi1>) -> (vector<16xi1>, vector<16xf32>, vector<16xf32>)
          %min3A_525 = arith.minimumf %min3A_508, %min3A_509 : vector<16xf32>
          %masked_sort3A_526 = arith.constant dense<true> : vector<16xi1>
          %masked_sort3A_527, %masked_sort3A_528, %masked_sort3A_529 = tpu.sort %min3A_525, %min3A_525 masked %masked_sort3A_526 {descending = true} : (vector<16xf32>, vector<16xf32>, vector<16xi1>) -> (vector<16xi1>, vector<16xf32>, vector<16xf32>)
          %rev3A_530 = arith.constant 15 : i32
          %rev3A_531 = vector.broadcast %rev3A_530 : i32 to vector<16xi32>
          %rev3A_532 = tpu.iota {dimensions = array<i32: 0>} : vector<16xi32>
          %rev3A_533 = arith.subi %rev3A_531, %rev3A_532 : vector<16xi32>
          %rev3A_534 = tpu.dynamic_gather %masked_sort3A_480[%rev3A_533] in [0] : vector<16xf32>, vector<16xi32> -> vector<16xf32>
          %max3A_535 = arith.maximumf %scan3A_274, %rev3A_534 : vector<16xf32>
          %rev3A_536 = arith.constant 15 : i32
          %rev3A_537 = vector.broadcast %rev3A_536 : i32 to vector<16xi32>
          %rev3A_538 = tpu.iota {dimensions = array<i32: 0>} : vector<16xi32>
          %rev3A_539 = arith.subi %rev3A_537, %rev3A_538 : vector<16xi32>
          %rev3A_540 = tpu.dynamic_gather %masked_sort3A_475[%rev3A_539] in [0] : vector<16xf32>, vector<16xi32> -> vector<16xf32>
          %max3A_541 = arith.maximumf %scan3A_275, %rev3A_540 : vector<16xf32>
          %rev3A_542 = arith.constant 15 : i32
          %rev3A_543 = vector.broadcast %rev3A_542 : i32 to vector<16xi32>
          %rev3A_544 = tpu.iota {dimensions = array<i32: 0>} : vector<16xi32>
          %rev3A_545 = arith.subi %rev3A_543, %rev3A_544 : vector<16xi32>
          %rev3A_546 = tpu.dynamic_gather %masked_sort3A_470[%rev3A_545] in [0] : vector<16xf32>, vector<16xi32> -> vector<16xf32>
          %max3A_547 = arith.maximumf %scan3A_276, %rev3A_546 : vector<16xf32>
          %rev3A_548 = arith.constant 15 : i32
          %rev3A_549 = vector.broadcast %rev3A_548 : i32 to vector<16xi32>
          %rev3A_550 = tpu.iota {dimensions = array<i32: 0>} : vector<16xi32>
          %rev3A_551 = arith.subi %rev3A_549, %rev3A_550 : vector<16xi32>
          %rev3A_552 = tpu.dynamic_gather %masked_sort3A_465[%rev3A_551] in [0] : vector<16xf32>, vector<16xi32> -> vector<16xf32>
          %max3A_553 = arith.maximumf %scan3A_277, %rev3A_552 : vector<16xf32>
          %max3A_554 = arith.maximumf %max3A_535, %max3A_547 : vector<16xf32>
          %max3A_555 = arith.maximumf %max3A_541, %max3A_553 : vector<16xf32>
          %min3A_556 = arith.minimumf %max3A_535, %max3A_547 : vector<16xf32>
          %min3A_557 = arith.minimumf %max3A_541, %max3A_553 : vector<16xf32>
          %max3A_558 = arith.maximumf %max3A_554, %max3A_555 : vector<16xf32>
          %masked_sort3A_559 = arith.constant dense<true> : vector<16xi1>
          %masked_sort3A_560, %masked_sort3A_561, %masked_sort3A_562 = tpu.sort %max3A_558, %max3A_558 masked %masked_sort3A_559 {descending = true} : (vector<16xf32>, vector<16xf32>, vector<16xi1>) -> (vector<16xi1>, vector<16xf32>, vector<16xf32>)
          %min3A_563 = arith.minimumf %max3A_554, %max3A_555 : vector<16xf32>
          %masked_sort3A_564 = arith.constant dense<true> : vector<16xi1>
          %masked_sort3A_565, %masked_sort3A_566, %masked_sort3A_567 = tpu.sort %min3A_563, %min3A_563 masked %masked_sort3A_564 {descending = true} : (vector<16xf32>, vector<16xf32>, vector<16xi1>) -> (vector<16xi1>, vector<16xf32>, vector<16xf32>)
          %max3A_568 = arith.maximumf %min3A_556, %min3A_557 : vector<16xf32>
          %masked_sort3A_569 = arith.constant dense<true> : vector<16xi1>
          %masked_sort3A_570, %masked_sort3A_571, %masked_sort3A_572 = tpu.sort %max3A_568, %max3A_568 masked %masked_sort3A_569 {descending = true} : (vector<16xf32>, vector<16xf32>, vector<16xi1>) -> (vector<16xi1>, vector<16xf32>, vector<16xf32>)
          %min3A_573 = arith.minimumf %min3A_556, %min3A_557 : vector<16xf32>
          %masked_sort3A_574 = arith.constant dense<true> : vector<16xi1>
          %masked_sort3A_575, %masked_sort3A_576, %masked_sort3A_577 = tpu.sort %min3A_573, %min3A_573 masked %masked_sort3A_574 {descending = true} : (vector<16xf32>, vector<16xf32>, vector<16xi1>) -> (vector<16xi1>, vector<16xf32>, vector<16xf32>)
          scf.yield %masked_sort3A_513, %masked_sort3A_518, %masked_sort3A_523, %masked_sort3A_528, %masked_sort3A_561, %masked_sort3A_566, %masked_sort3A_571, %masked_sort3A_576 : vector<16xf32>, vector<16xf32>, vector<16xf32>, vector<16xf32>, vector<16xf32>, vector<16xf32>, vector<16xf32>, vector<16xf32>
        }
        %scan3A_239 = arith.constant 63 : i32
        %mul3A_240 = arith.constant 8 : i32
        %mul3A_241 = arith.muli %mul3A_15, %mul3A_240 : i32
        %add3A_242 = arith.addi %mul3A_241, %mul3A_52 : i32
        %swap3A = arith.index_cast %add3A_242 : i32 to index
        %swap3A_243 = arith.constant 0 : index
        %swap3A_244 = tpu.vector_load %arg6[%swap3A, %swap3A_243] {strides = array<i32>} : memref<128x64xf32, #tpu.memory_space<vmem>>, vector<16xf32>,
        tpu.vector_store %arg6[%swap3A, %swap3A_243], %scan3A_238#0 {strides = array<i32>} : memref<128x64xf32, #tpu.memory_space<vmem>>, vector<16xf32>,
        %swap3A_245 = arith.index_cast %add3A_242 : i32 to index
        %swap3A_246 = arith.constant 16 : index
        %swap3A_247 = tpu.vector_load %arg6[%swap3A_245, %swap3A_246] {strides = array<i32>} : memref<128x64xf32, #tpu.memory_space<vmem>>, vector<16xf32>,
        tpu.vector_store %arg6[%swap3A_245, %swap3A_246], %scan3A_238#1 {strides = array<i32>} : memref<128x64xf32, #tpu.memory_space<vmem>>, vector<16xf32>,
        %swap3A_248 = arith.index_cast %add3A_242 : i32 to index
        %swap3A_249 = arith.constant 32 : index
        %swap3A_250 = tpu.vector_load %arg6[%swap3A_248, %swap3A_249] {strides = array<i32>} : memref<128x64xf32, #tpu.memory_space<vmem>>, vector<16xf32>,
        tpu.vector_store %arg6[%swap3A_248, %swap3A_249], %scan3A_238#2 {strides = array<i32>} : memref<128x64xf32, #tpu.memory_space<vmem>>, vector<16xf32>,
        %swap3A_251 = arith.index_cast %add3A_242 : i32 to index
        %swap3A_252 = arith.constant 48 : index
        %swap3A_253 = tpu.vector_load %arg6[%swap3A_251, %swap3A_252] {strides = array<i32>} : memref<128x64xf32, #tpu.memory_space<vmem>>, vector<16xf32>,
        tpu.vector_store %arg6[%swap3A_251, %swap3A_252], %scan3A_238#3 {strides = array<i32>} : memref<128x64xf32, #tpu.memory_space<vmem>>, vector<16xf32>,
        %mul3A_254 = arith.constant 8 : i32
        %mul3A_255 = arith.muli %mul3A_15, %mul3A_254 : i32
        %add3A_256 = arith.addi %mul3A_255, %add3A_54 : i32
        %swap3A_257 = arith.index_cast %add3A_256 : i32 to index
        %swap3A_258 = arith.constant 0 : index
        %swap3A_259 = tpu.vector_load %arg6[%swap3A_257, %swap3A_258] {strides = array<i32>} : memref<128x64xf32, #tpu.memory_space<vmem>>, vector<16xf32>,
        tpu.vector_store %arg6[%swap3A_257, %swap3A_258], %scan3A_238#4 {strides = array<i32>} : memref<128x64xf32, #tpu.memory_space<vmem>>, vector<16xf32>,
        %swap3A_260 = arith.index_cast %add3A_256 : i32 to index
        %swap3A_261 = arith.constant 16 : index
        %swap3A_262 = tpu.vector_load %arg6[%swap3A_260, %swap3A_261] {strides = array<i32>} : memref<128x64xf32, #tpu.memory_space<vmem>>, vector<16xf32>,
        tpu.vector_store %arg6[%swap3A_260, %swap3A_261], %scan3A_238#5 {strides = array<i32>} : memref<128x64xf32, #tpu.memory_space<vmem>>, vector<16xf32>,
        %swap3A_263 = arith.index_cast %add3A_256 : i32 to index
        %swap3A_264 = arith.constant 32 : index
        %swap3A_265 = tpu.vector_load %arg6[%swap3A_263, %swap3A_264] {strides = array<i32>} : memref<128x64xf32, #tpu.memory_space<vmem>>, vector<16xf32>,
        tpu.vector_store %arg6[%swap3A_263, %swap3A_264], %scan3A_238#6 {strides = array<i32>} : memref<128x64xf32, #tpu.memory_space<vmem>>, vector<16xf32>,
        %swap3A_266 = arith.index_cast %add3A_256 : i32 to index
        %swap3A_267 = arith.constant 48 : index
        %swap3A_268 = tpu.vector_load %arg6[%swap3A_266, %swap3A_267] {strides = array<i32>} : memref<128x64xf32, #tpu.memory_space<vmem>>, vector<16xf32>,
        tpu.vector_store %arg6[%swap3A_266, %swap3A_267], %scan3A_238#7 {strides = array<i32>} : memref<128x64xf32, #tpu.memory_space<vmem>>, vector<16xf32>,
      }
      %scan3A_34 = arith.constant 4 : i32
      %dma_wait3A_35 = arith.constant 0 : i32
      %dma_wait3A_36 = arith.constant 0 : i32
      %dma_wait3A_37 = tpu.memref_slice %arg2[%dma_wait3A_35, %dma_wait3A_36] : memref<4096x4096xf32, #tpu.memory_space<hbm>> -> memref<8x4096xf32, #tpu.memory_space<hbm>>
      %dma_wait3A_38 = arith.constant 0 : i32
      %dma_wait3A_39 = arith.constant 0 : i32
      %dma_wait3A_40 = tpu.memref_slice %arg2[%dma_wait3A_38, %dma_wait3A_39] : memref<4096x4096xf32, #tpu.memory_space<hbm>> -> memref<8x4096xf32, #tpu.memory_space<hbm>>
      tpu.wait_dma2 semaphore(%arg8 : memref<!tpu.dma_semaphore, #tpu.memory_space<semaphore_mem>>) src(%dma_wait3A_40 : memref<8x4096xf32, #tpu.memory_space<hbm>>) dst(%arg5 : memref<8x4096xf32, #tpu.memory_space<vmem>>)
      %lt3A = arith.constant 7 : i32
      %lt3A_41 = arith.cmpi slt, %scan3A_13, %lt3A : i32
      %convert_element_type3A = arith.extui %lt3A_41 : i1 to i32
      %cond3A = arith.constant 0 : i32
      %cond3A_42 = arith.cmpi ne, %convert_element_type3A, %cond3A : i32
      scf.if %cond3A_42 {
        %add3A_50 = arith.constant 2 : i32
        %add3A_51 = arith.addi %mul3A_15, %add3A_50 : i32
        %mul3A_52 = arith.constant 8 : i32
        %mul3A_53 = arith.muli %add3A_51, %mul3A_52 : i32
        %add3A_54 = arith.addi %mul3A_2, %mul3A_53 : i32
        %dma_start3A_55 = arith.constant 0 : i32
        %dma_start3A_56 = tpu.memref_slice %arg2[%add3A_54, %dma_start3A_55] : memref<4096x4096xf32, #tpu.memory_space<hbm>> -> memref<8x4096xf32, #tpu.memory_space<hbm>>
        %dma_start3A_57 = arith.constant 0 : i32
        %dma_start3A_58 = tpu.memref_slice %arg2[%add3A_54, %dma_start3A_57] : memref<4096x4096xf32, #tpu.memory_space<hbm>> -> memref<8x4096xf32, #tpu.memory_space<hbm>>
        tpu.enqueue_dma source(%dma_start3A_58 : memref<8x4096xf32, #tpu.memory_space<hbm>>) target(%arg4 : memref<8x4096xf32, #tpu.memory_space<vmem>>) target_semaphore(%arg7 : memref<!tpu.dma_semaphore, #tpu.memory_space<semaphore_mem>>)
      } else {
      }
      %add3A_43 = arith.constant 1 : i32
      %add3A_44 = arith.addi %mul3A_15, %add3A_43 : i32
      %scan3A_45 = arith.constant 0 : i32
      %scan3A_46 = arith.constant 4 : i32
      %scan3A_47 = arith.addi %scan3A_45, %scan3A_46 : i32
      %scan3A_48 = arith.constant 1 : i32
      scf.for %scan3A_50 = %scan3A_45 to %scan3A_47 step %scan3A_48  : i32 {
        %mul3A_51 = arith.constant 2 : i32
        %mul3A_52 = arith.muli %mul3A_51, %scan3A_50 : i32
        %add3A_53 = arith.constant 1 : i32
        %add3A_54 = arith.addi %mul3A_52, %add3A_53 : i32
        %get3A = arith.index_cast %mul3A_52 : i32 to index
        %get3A_55 = arith.constant 0 : index
        %get3A_56 = tpu.vector_load %arg5[%get3A, %get3A_55] {strides = array<i32>} : memref<8x4096xf32, #tpu.memory_space<vmem>>, vector<16xf32>,
        %get3A_57 = arith.index_cast %mul3A_52 : i32 to index
        %get3A_58 = arith.constant 16 : index
        %get3A_59 = tpu.vector_load %arg5[%get3A_57, %get3A_58] {strides = array<i32>} : memref<8x4096xf32, #tpu.memory_space<vmem>>, vector<16xf32>,
        %get3A_60 = arith.index_cast %mul3A_52 : i32 to index
        %get3A_61 = arith.constant 32 : index
        %get3A_62 = tpu.vector_load %arg5[%get3A_60, %get3A_61] {strides = array<i32>} : memref<8x4096xf32, #tpu.memory_space<vmem>>, vector<16xf32>,
        %get3A_63 = arith.index_cast %mul3A_52 : i32 to index
        %get3A_64 = arith.constant 48 : index
        %get3A_65 = tpu.vector_load %arg5[%get3A_63, %get3A_64] {strides = array<i32>} : memref<8x4096xf32, #tpu.memory_space<vmem>>, vector<16xf32>,
        %masked_sort3A = arith.constant dense<true> : vector<16xi1>
        %masked_sort3A_66, %masked_sort3A_67, %masked_sort3A_68 = tpu.sort %get3A_56, %get3A_56 masked %masked_sort3A {descending = true} : (vector<16xf32>, vector<16xf32>, vector<16xi1>) -> (vector<16xi1>, vector<16xf32>, vector<16xf32>)
        %masked_sort3A_69 = arith.constant dense<true> : vector<16xi1>
        %masked_sort3A_70, %masked_sort3A_71, %masked_sort3A_72 = tpu.sort %get3A_59, %get3A_59 masked %masked_sort3A_69 {descending = true} : (vector<16xf32>, vector<16xf32>, vector<16xi1>) -> (vector<16xi1>, vector<16xf32>, vector<16xf32>)
        %masked_sort3A_73 = arith.constant dense<true> : vector<16xi1>
        %masked_sort3A_74, %masked_sort3A_75, %masked_sort3A_76 = tpu.sort %get3A_62, %get3A_62 masked %masked_sort3A_73 {descending = true} : (vector<16xf32>, vector<16xf32>, vector<16xi1>) -> (vector<16xi1>, vector<16xf32>, vector<16xf32>)
        %masked_sort3A_77 = arith.constant dense<true> : vector<16xi1>
        %masked_sort3A_78, %masked_sort3A_79, %masked_sort3A_80 = tpu.sort %get3A_65, %get3A_65 masked %masked_sort3A_77 {descending = true} : (vector<16xf32>, vector<16xf32>, vector<16xi1>) -> (vector<16xi1>, vector<16xf32>, vector<16xf32>)
        %rev3A = arith.constant 15 : i32
        %rev3A_81 = vector.broadcast %rev3A : i32 to vector<16xi32>
        %rev3A_82 = tpu.iota {dimensions = array<i32: 0>} : vector<16xi32>
        %rev3A_83 = arith.subi %rev3A_81, %rev3A_82 : vector<16xi32>
        %rev3A_84 = tpu.dynamic_gather %masked_sort3A_71[%rev3A_83] in [0] : vector<16xf32>, vector<16xi32> -> vector<16xf32>
        %max3A = arith.maximumf %masked_sort3A_67, %rev3A_84 : vector<16xf32>
        %masked_sort3A_85 = arith.constant dense<true> : vector<16xi1>
        %masked_sort3A_86, %masked_sort3A_87, %masked_sort3A_88 = tpu.sort %max3A, %max3A masked %masked_sort3A_85 {descending = true} : (vector<16xf32>, vector<16xf32>, vector<16xi1>) -> (vector<16xi1>, vector<16xf32>, vector<16xf32>)
        %min3A = arith.minimumf %masked_sort3A_67, %rev3A_84 : vector<16xf32>
        %masked_sort3A_89 = arith.constant dense<true> : vector<16xi1>
        %masked_sort3A_90, %masked_sort3A_91, %masked_sort3A_92 = tpu.sort %min3A, %min3A masked %masked_sort3A_89 {descending = true} : (vector<16xf32>, vector<16xf32>, vector<16xi1>) -> (vector<16xi1>, vector<16xf32>, vector<16xf32>)
        %rev3A_93 = arith.constant 15 : i32
        %rev3A_94 = vector.broadcast %rev3A_93 : i32 to vector<16xi32>
        %rev3A_95 = tpu.iota {dimensions = array<i32: 0>} : vector<16xi32>
        %rev3A_96 = arith.subi %rev3A_94, %rev3A_95 : vector<16xi32>
        %rev3A_97 = tpu.dynamic_gather %masked_sort3A_79[%rev3A_96] in [0] : vector<16xf32>, vector<16xi32> -> vector<16xf32>
        %max3A_98 = arith.maximumf %masked_sort3A_75, %rev3A_97 : vector<16xf32>
        %masked_sort3A_99 = arith.constant dense<true> : vector<16xi1>
        %masked_sort3A_100, %masked_sort3A_101, %masked_sort3A_102 = tpu.sort %max3A_98, %max3A_98 masked %masked_sort3A_99 {descending = true} : (vector<16xf32>, vector<16xf32>, vector<16xi1>) -> (vector<16xi1>, vector<16xf32>, vector<16xf32>)
        %min3A_103 = arith.minimumf %masked_sort3A_75, %rev3A_97 : vector<16xf32>
        %masked_sort3A_104 = arith.constant dense<true> : vector<16xi1>
        %masked_sort3A_105, %masked_sort3A_106, %masked_sort3A_107 = tpu.sort %min3A_103, %min3A_103 masked %masked_sort3A_104 {descending = true} : (vector<16xf32>, vector<16xf32>, vector<16xi1>) -> (vector<16xi1>, vector<16xf32>, vector<16xf32>)
        %rev3A_108 = arith.constant 15 : i32
        %rev3A_109 = vector.broadcast %rev3A_108 : i32 to vector<16xi32>
        %rev3A_110 = tpu.iota {dimensions = array<i32: 0>} : vector<16xi32>
        %rev3A_111 = arith.subi %rev3A_109, %rev3A_110 : vector<16xi32>
        %rev3A_112 = tpu.dynamic_gather %masked_sort3A_106[%rev3A_111] in [0] : vector<16xf32>, vector<16xi32> -> vector<16xf32>
        %rev3A_113 = arith.constant 15 : i32
        %rev3A_114 = vector.broadcast %rev3A_113 : i32 to vector<16xi32>
        %rev3A_115 = tpu.iota {dimensions = array<i32: 0>} : vector<16xi32>
        %rev3A_116 = arith.subi %rev3A_114, %rev3A_115 : vector<16xi32>
        %rev3A_117 = tpu.dynamic_gather %masked_sort3A_101[%rev3A_116] in [0] : vector<16xf32>, vector<16xi32> -> vector<16xf32>
        %max3A_118 = arith.maximumf %masked_sort3A_87, %rev3A_112 : vector<16xf32>
        %max3A_119 = arith.maximumf %masked_sort3A_91, %rev3A_117 : vector<16xf32>
        %min3A_120 = arith.minimumf %masked_sort3A_87, %rev3A_112 : vector<16xf32>
        %min3A_121 = arith.minimumf %masked_sort3A_91, %rev3A_117 : vector<16xf32>
        %max3A_122 = arith.maximumf %max3A_118, %max3A_119 : vector<16xf32>
        %masked_sort3A_123 = arith.constant dense<true> : vector<16xi1>
        %masked_sort3A_124, %masked_sort3A_125, %masked_sort3A_126 = tpu.sort %max3A_122, %max3A_122 masked %masked_sort3A_123 {descending = true} : (vector<16xf32>, vector<16xf32>, vector<16xi1>) -> (vector<16xi1>, vector<16xf32>, vector<16xf32>)
        %min3A_127 = arith.minimumf %max3A_118, %max3A_119 : vector<16xf32>
        %masked_sort3A_128 = arith.constant dense<true> : vector<16xi1>
        %masked_sort3A_129, %masked_sort3A_130, %masked_sort3A_131 = tpu.sort %min3A_127, %min3A_127 masked %masked_sort3A_128 {descending = true} : (vector<16xf32>, vector<16xf32>, vector<16xi1>) -> (vector<16xi1>, vector<16xf32>, vector<16xf32>)
        %max3A_132 = arith.maximumf %min3A_120, %min3A_121 : vector<16xf32>
        %masked_sort3A_133 = arith.constant dense<true> : vector<16xi1>
        %masked_sort3A_134, %masked_sort3A_135, %masked_sort3A_136 = tpu.sort %max3A_132, %max3A_132 masked %masked_sort3A_133 {descending = true} : (vector<16xf32>, vector<16xf32>, vector<16xi1>) -> (vector<16xi1>, vector<16xf32>, vector<16xf32>)
        %min3A_137 = arith.minimumf %min3A_120, %min3A_121 : vector<16xf32>
        %masked_sort3A_138 = arith.constant dense<true> : vector<16xi1>
        %masked_sort3A_139, %masked_sort3A_140, %masked_sort3A_141 = tpu.sort %min3A_137, %min3A_137 masked %masked_sort3A_138 {descending = true} : (vector<16xf32>, vector<16xf32>, vector<16xi1>) -> (vector<16xi1>, vector<16xf32>, vector<16xf32>)
        %get3A_142 = arith.index_cast %add3A_54 : i32 to index
        %get3A_143 = arith.constant 0 : index
        %get3A_144 = tpu.vector_load %arg5[%get3A_142, %get3A_143] {strides = array<i32>} : memref<8x4096xf32, #tpu.memory_space<vmem>>, vector<16xf32>,
        %get3A_145 = arith.index_cast %add3A_54 : i32 to index
        %get3A_146 = arith.constant 16 : index
        %get3A_147 = tpu.vector_load %arg5[%get3A_145, %get3A_146] {strides = array<i32>} : memref<8x4096xf32, #tpu.memory_space<vmem>>, vector<16xf32>,
        %get3A_148 = arith.index_cast %add3A_54 : i32 to index
        %get3A_149 = arith.constant 32 : index
        %get3A_150 = tpu.vector_load %arg5[%get3A_148, %get3A_149] {strides = array<i32>} : memref<8x4096xf32, #tpu.memory_space<vmem>>, vector<16xf32>,
        %get3A_151 = arith.index_cast %add3A_54 : i32 to index
        %get3A_152 = arith.constant 48 : index
        %get3A_153 = tpu.vector_load %arg5[%get3A_151, %get3A_152] {strides = array<i32>} : memref<8x4096xf32, #tpu.memory_space<vmem>>, vector<16xf32>,
        %masked_sort3A_154 = arith.constant dense<true> : vector<16xi1>
        %masked_sort3A_155, %masked_sort3A_156, %masked_sort3A_157 = tpu.sort %get3A_144, %get3A_144 masked %masked_sort3A_154 {descending = true} : (vector<16xf32>, vector<16xf32>, vector<16xi1>) -> (vector<16xi1>, vector<16xf32>, vector<16xf32>)
        %masked_sort3A_158 = arith.constant dense<true> : vector<16xi1>
        %masked_sort3A_159, %masked_sort3A_160, %masked_sort3A_161 = tpu.sort %get3A_147, %get3A_147 masked %masked_sort3A_158 {descending = true} : (vector<16xf32>, vector<16xf32>, vector<16xi1>) -> (vector<16xi1>, vector<16xf32>, vector<16xf32>)
        %masked_sort3A_162 = arith.constant dense<true> : vector<16xi1>
        %masked_sort3A_163, %masked_sort3A_164, %masked_sort3A_165 = tpu.sort %get3A_150, %get3A_150 masked %masked_sort3A_162 {descending = true} : (vector<16xf32>, vector<16xf32>, vector<16xi1>) -> (vector<16xi1>, vector<16xf32>, vector<16xf32>)
        %masked_sort3A_166 = arith.constant dense<true> : vector<16xi1>
        %masked_sort3A_167, %masked_sort3A_168, %masked_sort3A_169 = tpu.sort %get3A_153, %get3A_153 masked %masked_sort3A_166 {descending = true} : (vector<16xf32>, vector<16xf32>, vector<16xi1>) -> (vector<16xi1>, vector<16xf32>, vector<16xf32>)
        %rev3A_170 = arith.constant 15 : i32
        %rev3A_171 = vector.broadcast %rev3A_170 : i32 to vector<16xi32>
        %rev3A_172 = tpu.iota {dimensions = array<i32: 0>} : vector<16xi32>
        %rev3A_173 = arith.subi %rev3A_171, %rev3A_172 : vector<16xi32>
        %rev3A_174 = tpu.dynamic_gather %masked_sort3A_160[%rev3A_173] in [0] : vector<16xf32>, vector<16xi32> -> vector<16xf32>
        %max3A_175 = arith.maximumf %masked_sort3A_156, %rev3A_174 : vector<16xf32>
        %masked_sort3A_176 = arith.constant dense<true> : vector<16xi1>
        %masked_sort3A_177, %masked_sort3A_178, %masked_sort3A_179 = tpu.sort %max3A_175, %max3A_175 masked %masked_sort3A_176 {descending = true} : (vector<16xf32>, vector<16xf32>, vector<16xi1>) -> (vector<16xi1>, vector<16xf32>, vector<16xf32>)
        %min3A_180 = arith.minimumf %masked_sort3A_156, %rev3A_174 : vector<16xf32>
        %masked_sort3A_181 = arith.constant dense<true> : vector<16xi1>
        %masked_sort3A_182, %masked_sort3A_183, %masked_sort3A_184 = tpu.sort %min3A_180, %min3A_180 masked %masked_sort3A_181 {descending = true} : (vector<16xf32>, vector<16xf32>, vector<16xi1>) -> (vector<16xi1>, vector<16xf32>, vector<16xf32>)
        %rev3A_185 = arith.constant 15 : i32
        %rev3A_186 = vector.broadcast %rev3A_185 : i32 to vector<16xi32>
        %rev3A_187 = tpu.iota {dimensions = array<i32: 0>} : vector<16xi32>
        %rev3A_188 = arith.subi %rev3A_186, %rev3A_187 : vector<16xi32>
        %rev3A_189 = tpu.dynamic_gather %masked_sort3A_168[%rev3A_188] in [0] : vector<16xf32>, vector<16xi32> -> vector<16xf32>
        %max3A_190 = arith.maximumf %masked_sort3A_164, %rev3A_189 : vector<16xf32>
        %masked_sort3A_191 = arith.constant dense<true> : vector<16xi1>
        %masked_sort3A_192, %masked_sort3A_193, %masked_sort3A_194 = tpu.sort %max3A_190, %max3A_190 masked %masked_sort3A_191 {descending = true} : (vector<16xf32>, vector<16xf32>, vector<16xi1>) -> (vector<16xi1>, vector<16xf32>, vector<16xf32>)
        %min3A_195 = arith.minimumf %masked_sort3A_164, %rev3A_189 : vector<16xf32>
        %masked_sort3A_196 = arith.constant dense<true> : vector<16xi1>
        %masked_sort3A_197, %masked_sort3A_198, %masked_sort3A_199 = tpu.sort %min3A_195, %min3A_195 masked %masked_sort3A_196 {descending = true} : (vector<16xf32>, vector<16xf32>, vector<16xi1>) -> (vector<16xi1>, vector<16xf32>, vector<16xf32>)
        %rev3A_200 = arith.constant 15 : i32
        %rev3A_201 = vector.broadcast %rev3A_200 : i32 to vector<16xi32>
        %rev3A_202 = tpu.iota {dimensions = array<i32: 0>} : vector<16xi32>
        %rev3A_203 = arith.subi %rev3A_201, %rev3A_202 : vector<16xi32>
        %rev3A_204 = tpu.dynamic_gather %masked_sort3A_198[%rev3A_203] in [0] : vector<16xf32>, vector<16xi32> -> vector<16xf32>
        %rev3A_205 = arith.constant 15 : i32
        %rev3A_206 = vector.broadcast %rev3A_205 : i32 to vector<16xi32>
        %rev3A_207 = tpu.iota {dimensions = array<i32: 0>} : vector<16xi32>
        %rev3A_208 = arith.subi %rev3A_206, %rev3A_207 : vector<16xi32>
        %rev3A_209 = tpu.dynamic_gather %masked_sort3A_193[%rev3A_208] in [0] : vector<16xf32>, vector<16xi32> -> vector<16xf32>
        %max3A_210 = arith.maximumf %masked_sort3A_178, %rev3A_204 : vector<16xf32>
        %max3A_211 = arith.maximumf %masked_sort3A_183, %rev3A_209 : vector<16xf32>
        %min3A_212 = arith.minimumf %masked_sort3A_178, %rev3A_204 : vector<16xf32>
        %min3A_213 = arith.minimumf %masked_sort3A_183, %rev3A_209 : vector<16xf32>
        %max3A_214 = arith.maximumf %max3A_210, %max3A_211 : vector<16xf32>
        %masked_sort3A_215 = arith.constant dense<true> : vector<16xi1>
        %masked_sort3A_216, %masked_sort3A_217, %masked_sort3A_218 = tpu.sort %max3A_214, %max3A_214 masked %masked_sort3A_215 {descending = true} : (vector<16xf32>, vector<16xf32>, vector<16xi1>) -> (vector<16xi1>, vector<16xf32>, vector<16xf32>)
        %min3A_219 = arith.minimumf %max3A_210, %max3A_211 : vector<16xf32>
        %masked_sort3A_220 = arith.constant dense<true> : vector<16xi1>
        %masked_sort3A_221, %masked_sort3A_222, %masked_sort3A_223 = tpu.sort %min3A_219, %min3A_219 masked %masked_sort3A_220 {descending = true} : (vector<16xf32>, vector<16xf32>, vector<16xi1>) -> (vector<16xi1>, vector<16xf32>, vector<16xf32>)
        %max3A_224 = arith.maximumf %min3A_212, %min3A_213 : vector<16xf32>
        %masked_sort3A_225 = arith.constant dense<true> : vector<16xi1>
        %masked_sort3A_226, %masked_sort3A_227, %masked_sort3A_228 = tpu.sort %max3A_224, %max3A_224 masked %masked_sort3A_225 {descending = true} : (vector<16xf32>, vector<16xf32>, vector<16xi1>) -> (vector<16xi1>, vector<16xf32>, vector<16xf32>)
        %min3A_229 = arith.minimumf %min3A_212, %min3A_213 : vector<16xf32>
        %masked_sort3A_230 = arith.constant dense<true> : vector<16xi1>
        %masked_sort3A_231, %masked_sort3A_232, %masked_sort3A_233 = tpu.sort %min3A_229, %min3A_229 masked %masked_sort3A_230 {descending = true} : (vector<16xf32>, vector<16xf32>, vector<16xi1>) -> (vector<16xi1>, vector<16xf32>, vector<16xf32>)
        %scan3A_234 = arith.constant 1 : i32
        %scan3A_235 = arith.constant 63 : i32
        %scan3A_236 = arith.addi %scan3A_234, %scan3A_235 : i32
        %scan3A_237 = arith.constant 1 : i32
        %scan3A_238:8 = scf.for %scan3A_269 = %scan3A_234 to %scan3A_236 step %scan3A_237 iter_args(%scan3A_270 = %masked_sort3A_125, %scan3A_271 = %masked_sort3A_130, %scan3A_272 = %masked_sort3A_135, %scan3A_273 = %masked_sort3A_140, %scan3A_274 = %masked_sort3A_217, %scan3A_275 = %masked_sort3A_222, %scan3A_276 = %masked_sort3A_227, %scan3A_277 = %masked_sort3A_232) -> (vector<16xf32>, vector<16xf32>, vector<16xf32>, vector<16xf32>, vector<16xf32>, vector<16xf32>, vector<16xf32>, vector<16xf32>)  : i32 {
          %mul3A_278 = arith.constant 64 : i32
          %mul3A_279 = arith.muli %scan3A_269, %mul3A_278 : i32
          %add3A_280 = arith.constant 0 : i32
          %add3A_281 = arith.addi %mul3A_279, %add3A_280 : i32
          %get3A_282 = arith.index_cast %mul3A_52 : i32 to index
          %get3A_283 = arith.index_cast %add3A_281 : i32 to index
          %get3A_284 = tpu.vector_load %arg5[%get3A_282, %get3A_283] {strides = array<i32>} : memref<8x4096xf32, #tpu.memory_space<vmem>>, vector<16xf32>,
          %add3A_285 = arith.constant 16 : i32
          %add3A_286 = arith.addi %mul3A_279, %add3A_285 : i32
          %get3A_287 = arith.index_cast %mul3A_52 : i32 to index
          %get3A_288 = arith.index_cast %add3A_286 : i32 to index
          %get3A_289 = tpu.vector_load %arg5[%get3A_287, %get3A_288] {strides = array<i32>} : memref<8x4096xf32, #tpu.memory_space<vmem>>, vector<16xf32>,
          %add3A_290 = arith.constant 32 : i32
          %add3A_291 = arith.addi %mul3A_279, %add3A_290 : i32
          %get3A_292 = arith.index_cast %mul3A_52 : i32 to index
          %get3A_293 = arith.index_cast %add3A_291 : i32 to index
          %get3A_294 = tpu.vector_load %arg5[%get3A_292, %get3A_293] {strides = array<i32>} : memref<8x4096xf32, #tpu.memory_space<vmem>>, vector<16xf32>,
          %add3A_295 = arith.constant 48 : i32
          %add3A_296 = arith.addi %mul3A_279, %add3A_295 : i32
          %get3A_297 = arith.index_cast %mul3A_52 : i32 to index
          %get3A_298 = arith.index_cast %add3A_296 : i32 to index
          %get3A_299 = tpu.vector_load %arg5[%get3A_297, %get3A_298] {strides = array<i32>} : memref<8x4096xf32, #tpu.memory_space<vmem>>, vector<16xf32>,
          %masked_sort3A_300 = arith.constant dense<true> : vector<16xi1>
          %masked_sort3A_301, %masked_sort3A_302, %masked_sort3A_303 = tpu.sort %get3A_284, %get3A_284 masked %masked_sort3A_300 {descending = true} : (vector<16xf32>, vector<16xf32>, vector<16xi1>) -> (vector<16xi1>, vector<16xf32>, vector<16xf32>)
          %masked_sort3A_304 = arith.constant dense<true> : vector<16xi1>
          %masked_sort3A_305, %masked_sort3A_306, %masked_sort3A_307 = tpu.sort %get3A_289, %get3A_289 masked %masked_sort3A_304 {descending = true} : (vector<16xf32>, vector<16xf32>, vector<16xi1>) -> (vector<16xi1>, vector<16xf32>, vector<16xf32>)
          %masked_sort3A_308 = arith.constant dense<true> : vector<16xi1>
          %masked_sort3A_309, %masked_sort3A_310, %masked_sort3A_311 = tpu.sort %get3A_294, %get3A_294 masked %masked_sort3A_308 {descending = true} : (vector<16xf32>, vector<16xf32>, vector<16xi1>) -> (vector<16xi1>, vector<16xf32>, vector<16xf32>)
          %masked_sort3A_312 = arith.constant dense<true> : vector<16xi1>
          %masked_sort3A_313, %masked_sort3A_314, %masked_sort3A_315 = tpu.sort %get3A_299, %get3A_299 masked %masked_sort3A_312 {descending = true} : (vector<16xf32>, vector<16xf32>, vector<16xi1>) -> (vector<16xi1>, vector<16xf32>, vector<16xf32>)
          %rev3A_316 = arith.constant 15 : i32
          %rev3A_317 = vector.broadcast %rev3A_316 : i32 to vector<16xi32>
          %rev3A_318 = tpu.iota {dimensions = array<i32: 0>} : vector<16xi32>
          %rev3A_319 = arith.subi %rev3A_317, %rev3A_318 : vector<16xi32>
          %rev3A_320 = tpu.dynamic_gather %masked_sort3A_306[%rev3A_319] in [0] : vector<16xf32>, vector<16xi32> -> vector<16xf32>
          %max3A_321 = arith.maximumf %masked_sort3A_302, %rev3A_320 : vector<16xf32>
          %masked_sort3A_322 = arith.constant dense<true> : vector<16xi1>
          %masked_sort3A_323, %masked_sort3A_324, %masked_sort3A_325 = tpu.sort %max3A_321, %max3A_321 masked %masked_sort3A_322 {descending = true} : (vector<16xf32>, vector<16xf32>, vector<16xi1>) -> (vector<16xi1>, vector<16xf32>, vector<16xf32>)
          %min3A_326 = arith.minimumf %masked_sort3A_302, %rev3A_320 : vector<16xf32>
          %masked_sort3A_327 = arith.constant dense<true> : vector<16xi1>
          %masked_sort3A_328, %masked_sort3A_329, %masked_sort3A_330 = tpu.sort %min3A_326, %min3A_326 masked %masked_sort3A_327 {descending = true} : (vector<16xf32>, vector<16xf32>, vector<16xi1>) -> (vector<16xi1>, vector<16xf32>, vector<16xf32>)
          %rev3A_331 = arith.constant 15 : i32
          %rev3A_332 = vector.broadcast %rev3A_331 : i32 to vector<16xi32>
          %rev3A_333 = tpu.iota {dimensions = array<i32: 0>} : vector<16xi32>
          %rev3A_334 = arith.subi %rev3A_332, %rev3A_333 : vector<16xi32>
          %rev3A_335 = tpu.dynamic_gather %masked_sort3A_314[%rev3A_334] in [0] : vector<16xf32>, vector<16xi32> -> vector<16xf32>
          %max3A_336 = arith.maximumf %masked_sort3A_310, %rev3A_335 : vector<16xf32>
          %masked_sort3A_337 = arith.constant dense<true> : vector<16xi1>
          %masked_sort3A_338, %masked_sort3A_339, %masked_sort3A_340 = tpu.sort %max3A_336, %max3A_336 masked %masked_sort3A_337 {descending = true} : (vector<16xf32>, vector<16xf32>, vector<16xi1>) -> (vector<16xi1>, vector<16xf32>, vector<16xf32>)
          %min3A_341 = arith.minimumf %masked_sort3A_310, %rev3A_335 : vector<16xf32>
          %masked_sort3A_342 = arith.constant dense<true> : vector<16xi1>
          %masked_sort3A_343, %masked_sort3A_344, %masked_sort3A_345 = tpu.sort %min3A_341, %min3A_341 masked %masked_sort3A_342 {descending = true} : (vector<16xf32>, vector<16xf32>, vector<16xi1>) -> (vector<16xi1>, vector<16xf32>, vector<16xf32>)
          %rev3A_346 = arith.constant 15 : i32
          %rev3A_347 = vector.broadcast %rev3A_346 : i32 to vector<16xi32>
          %rev3A_348 = tpu.iota {dimensions = array<i32: 0>} : vector<16xi32>
          %rev3A_349 = arith.subi %rev3A_347, %rev3A_348 : vector<16xi32>
          %rev3A_350 = tpu.dynamic_gather %masked_sort3A_344[%rev3A_349] in [0] : vector<16xf32>, vector<16xi32> -> vector<16xf32>
          %rev3A_351 = arith.constant 15 : i32
          %rev3A_352 = vector.broadcast %rev3A_351 : i32 to vector<16xi32>
          %rev3A_353 = tpu.iota {dimensions = array<i32: 0>} : vector<16xi32>
          %rev3A_354 = arith.subi %rev3A_352, %rev3A_353 : vector<16xi32>
          %rev3A_355 = tpu.dynamic_gather %masked_sort3A_339[%rev3A_354] in [0] : vector<16xf32>, vector<16xi32> -> vector<16xf32>
          %max3A_356 = arith.maximumf %masked_sort3A_324, %rev3A_350 : vector<16xf32>
          %max3A_357 = arith.maximumf %masked_sort3A_329, %rev3A_355 : vector<16xf32>
          %min3A_358 = arith.minimumf %masked_sort3A_324, %rev3A_350 : vector<16xf32>
          %min3A_359 = arith.minimumf %masked_sort3A_329, %rev3A_355 : vector<16xf32>
          %max3A_360 = arith.maximumf %max3A_356, %max3A_357 : vector<16xf32>
          %masked_sort3A_361 = arith.constant dense<true> : vector<16xi1>
          %masked_sort3A_362, %masked_sort3A_363, %masked_sort3A_364 = tpu.sort %max3A_360, %max3A_360 masked %masked_sort3A_361 {descending = true} : (vector<16xf32>, vector<16xf32>, vector<16xi1>) -> (vector<16xi1>, vector<16xf32>, vector<16xf32>)
          %min3A_365 = arith.minimumf %max3A_356, %max3A_357 : vector<16xf32>
          %masked_sort3A_366 = arith.constant dense<true> : vector<16xi1>
          %masked_sort3A_367, %masked_sort3A_368, %masked_sort3A_369 = tpu.sort %min3A_365, %min3A_365 masked %masked_sort3A_366 {descending = true} : (vector<16xf32>, vector<16xf32>, vector<16xi1>) -> (vector<16xi1>, vector<16xf32>, vector<16xf32>)
          %max3A_370 = arith.maximumf %min3A_358, %min3A_359 : vector<16xf32>
          %masked_sort3A_371 = arith.constant dense<true> : vector<16xi1>
          %masked_sort3A_372, %masked_sort3A_373, %masked_sort3A_374 = tpu.sort %max3A_370, %max3A_370 masked %masked_sort3A_371 {descending = true} : (vector<16xf32>, vector<16xf32>, vector<16xi1>) -> (vector<16xi1>, vector<16xf32>, vector<16xf32>)
          %min3A_375 = arith.minimumf %min3A_358, %min3A_359 : vector<16xf32>
          %masked_sort3A_376 = arith.constant dense<true> : vector<16xi1>
          %masked_sort3A_377, %masked_sort3A_378, %masked_sort3A_379 = tpu.sort %min3A_375, %min3A_375 masked %masked_sort3A_376 {descending = true} : (vector<16xf32>, vector<16xf32>, vector<16xi1>) -> (vector<16xi1>, vector<16xf32>, vector<16xf32>)
          %mul3A_380 = arith.constant 64 : i32
          %mul3A_381 = arith.muli %scan3A_269, %mul3A_380 : i32
          %add3A_382 = arith.constant 0 : i32
          %add3A_383 = arith.addi %mul3A_381, %add3A_382 : i32
          %get3A_384 = arith.index_cast %add3A_54 : i32 to index
          %get3A_385 = arith.index_cast %add3A_383 : i32 to index
          %get3A_386 = tpu.vector_load %arg5[%get3A_384, %get3A_385] {strides = array<i32>} : memref<8x4096xf32, #tpu.memory_space<vmem>>, vector<16xf32>,
          %add3A_387 = arith.constant 16 : i32
          %add3A_388 = arith.addi %mul3A_381, %add3A_387 : i32
          %get3A_389 = arith.index_cast %add3A_54 : i32 to index
          %get3A_390 = arith.index_cast %add3A_388 : i32 to index
          %get3A_391 = tpu.vector_load %arg5[%get3A_389, %get3A_390] {strides = array<i32>} : memref<8x4096xf32, #tpu.memory_space<vmem>>, vector<16xf32>,
          %add3A_392 = arith.constant 32 : i32
          %add3A_393 = arith.addi %mul3A_381, %add3A_392 : i32
          %get3A_394 = arith.index_cast %add3A_54 : i32 to index
          %get3A_395 = arith.index_cast %add3A_393 : i32 to index
          %get3A_396 = tpu.vector_load %arg5[%get3A_394, %get3A_395] {strides = array<i32>} : memref<8x4096xf32, #tpu.memory_space<vmem>>, vector<16xf32>,
          %add3A_397 = arith.constant 48 : i32
          %add3A_398 = arith.addi %mul3A_381, %add3A_397 : i32
          %get3A_399 = arith.index_cast %add3A_54 : i32 to index
          %get3A_400 = arith.index_cast %add3A_398 : i32 to index
          %get3A_401 = tpu.vector_load %arg5[%get3A_399, %get3A_400] {strides = array<i32>} : memref<8x4096xf32, #tpu.memory_space<vmem>>, vector<16xf32>,
          %masked_sort3A_402 = arith.constant dense<true> : vector<16xi1>
          %masked_sort3A_403, %masked_sort3A_404, %masked_sort3A_405 = tpu.sort %get3A_386, %get3A_386 masked %masked_sort3A_402 {descending = true} : (vector<16xf32>, vector<16xf32>, vector<16xi1>) -> (vector<16xi1>, vector<16xf32>, vector<16xf32>)
          %masked_sort3A_406 = arith.constant dense<true> : vector<16xi1>
          %masked_sort3A_407, %masked_sort3A_408, %masked_sort3A_409 = tpu.sort %get3A_391, %get3A_391 masked %masked_sort3A_406 {descending = true} : (vector<16xf32>, vector<16xf32>, vector<16xi1>) -> (vector<16xi1>, vector<16xf32>, vector<16xf32>)
          %masked_sort3A_410 = arith.constant dense<true> : vector<16xi1>
          %masked_sort3A_411, %masked_sort3A_412, %masked_sort3A_413 = tpu.sort %get3A_396, %get3A_396 masked %masked_sort3A_410 {descending = true} : (vector<16xf32>, vector<16xf32>, vector<16xi1>) -> (vector<16xi1>, vector<16xf32>, vector<16xf32>)
          %masked_sort3A_414 = arith.constant dense<true> : vector<16xi1>
          %masked_sort3A_415, %masked_sort3A_416, %masked_sort3A_417 = tpu.sort %get3A_401, %get3A_401 masked %masked_sort3A_414 {descending = true} : (vector<16xf32>, vector<16xf32>, vector<16xi1>) -> (vector<16xi1>, vector<16xf32>, vector<16xf32>)
          %rev3A_418 = arith.constant 15 : i32
          %rev3A_419 = vector.broadcast %rev3A_418 : i32 to vector<16xi32>
          %rev3A_420 = tpu.iota {dimensions = array<i32: 0>} : vector<16xi32>
          %rev3A_421 = arith.subi %rev3A_419, %rev3A_420 : vector<16xi32>
          %rev3A_422 = tpu.dynamic_gather %masked_sort3A_408[%rev3A_421] in [0] : vector<16xf32>, vector<16xi32> -> vector<16xf32>
          %max3A_423 = arith.maximumf %masked_sort3A_404, %rev3A_422 : vector<16xf32>
          %masked_sort3A_424 = arith.constant dense<true> : vector<16xi1>
          %masked_sort3A_425, %masked_sort3A_426, %masked_sort3A_427 = tpu.sort %max3A_423, %max3A_423 masked %masked_sort3A_424 {descending = true} : (vector<16xf32>, vector<16xf32>, vector<16xi1>) -> (vector<16xi1>, vector<16xf32>, vector<16xf32>)
          %min3A_428 = arith.minimumf %masked_sort3A_404, %rev3A_422 : vector<16xf32>
          %masked_sort3A_429 = arith.constant dense<true> : vector<16xi1>
          %masked_sort3A_430, %masked_sort3A_431, %masked_sort3A_432 = tpu.sort %min3A_428, %min3A_428 masked %masked_sort3A_429 {descending = true} : (vector<16xf32>, vector<16xf32>, vector<16xi1>) -> (vector<16xi1>, vector<16xf32>, vector<16xf32>)
          %rev3A_433 = arith.constant 15 : i32
          %rev3A_434 = vector.broadcast %rev3A_433 : i32 to vector<16xi32>
          %rev3A_435 = tpu.iota {dimensions = array<i32: 0>} : vector<16xi32>
          %rev3A_436 = arith.subi %rev3A_434, %rev3A_435 : vector<16xi32>
          %rev3A_437 = tpu.dynamic_gather %masked_sort3A_416[%rev3A_436] in [0] : vector<16xf32>, vector<16xi32> -> vector<16xf32>
          %max3A_438 = arith.maximumf %masked_sort3A_412, %rev3A_437 : vector<16xf32>
          %masked_sort3A_439 = arith.constant dense<true> : vector<16xi1>
          %masked_sort3A_440, %masked_sort3A_441, %masked_sort3A_442 = tpu.sort %max3A_438, %max3A_438 masked %masked_sort3A_439 {descending = true} : (vector<16xf32>, vector<16xf32>, vector<16xi1>) -> (vector<16xi1>, vector<16xf32>, vector<16xf32>)
          %min3A_443 = arith.minimumf %masked_sort3A_412, %rev3A_437 : vector<16xf32>
          %masked_sort3A_444 = arith.constant dense<true> : vector<16xi1>
          %masked_sort3A_445, %masked_sort3A_446, %masked_sort3A_447 = tpu.sort %min3A_443, %min3A_443 masked %masked_sort3A_444 {descending = true} : (vector<16xf32>, vector<16xf32>, vector<16xi1>) -> (vector<16xi1>, vector<16xf32>, vector<16xf32>)
          %rev3A_448 = arith.constant 15 : i32
          %rev3A_449 = vector.broadcast %rev3A_448 : i32 to vector<16xi32>
          %rev3A_450 = tpu.iota {dimensions = array<i32: 0>} : vector<16xi32>
          %rev3A_451 = arith.subi %rev3A_449, %rev3A_450 : vector<16xi32>
          %rev3A_452 = tpu.dynamic_gather %masked_sort3A_446[%rev3A_451] in [0] : vector<16xf32>, vector<16xi32> -> vector<16xf32>
          %rev3A_453 = arith.constant 15 : i32
          %rev3A_454 = vector.broadcast %rev3A_453 : i32 to vector<16xi32>
          %rev3A_455 = tpu.iota {dimensions = array<i32: 0>} : vector<16xi32>
          %rev3A_456 = arith.subi %rev3A_454, %rev3A_455 : vector<16xi32>
          %rev3A_457 = tpu.dynamic_gather %masked_sort3A_441[%rev3A_456] in [0] : vector<16xf32>, vector<16xi32> -> vector<16xf32>
          %max3A_458 = arith.maximumf %masked_sort3A_426, %rev3A_452 : vector<16xf32>
          %max3A_459 = arith.maximumf %masked_sort3A_431, %rev3A_457 : vector<16xf32>
          %min3A_460 = arith.minimumf %masked_sort3A_426, %rev3A_452 : vector<16xf32>
          %min3A_461 = arith.minimumf %masked_sort3A_431, %rev3A_457 : vector<16xf32>
          %max3A_462 = arith.maximumf %max3A_458, %max3A_459 : vector<16xf32>
          %masked_sort3A_463 = arith.constant dense<true> : vector<16xi1>
          %masked_sort3A_464, %masked_sort3A_465, %masked_sort3A_466 = tpu.sort %max3A_462, %max3A_462 masked %masked_sort3A_463 {descending = true} : (vector<16xf32>, vector<16xf32>, vector<16xi1>) -> (vector<16xi1>, vector<16xf32>, vector<16xf32>)
          %min3A_467 = arith.minimumf %max3A_458, %max3A_459 : vector<16xf32>
          %masked_sort3A_468 = arith.constant dense<true> : vector<16xi1>
          %masked_sort3A_469, %masked_sort3A_470, %masked_sort3A_471 = tpu.sort %min3A_467, %min3A_467 masked %masked_sort3A_468 {descending = true} : (vector<16xf32>, vector<16xf32>, vector<16xi1>) -> (vector<16xi1>, vector<16xf32>, vector<16xf32>)
          %max3A_472 = arith.maximumf %min3A_460, %min3A_461 : vector<16xf32>
          %masked_sort3A_473 = arith.constant dense<true> : vector<16xi1>
          %masked_sort3A_474, %masked_sort3A_475, %masked_sort3A_476 = tpu.sort %max3A_472, %max3A_472 masked %masked_sort3A_473 {descending = true} : (vector<16xf32>, vector<16xf32>, vector<16xi1>) -> (vector<16xi1>, vector<16xf32>, vector<16xf32>)
          %min3A_477 = arith.minimumf %min3A_460, %min3A_461 : vector<16xf32>
          %masked_sort3A_478 = arith.constant dense<true> : vector<16xi1>
          %masked_sort3A_479, %masked_sort3A_480, %masked_sort3A_481 = tpu.sort %min3A_477, %min3A_477 masked %masked_sort3A_478 {descending = true} : (vector<16xf32>, vector<16xf32>, vector<16xi1>) -> (vector<16xi1>, vector<16xf32>, vector<16xf32>)
          %rev3A_482 = arith.constant 15 : i32
          %rev3A_483 = vector.broadcast %rev3A_482 : i32 to vector<16xi32>
          %rev3A_484 = tpu.iota {dimensions = array<i32: 0>} : vector<16xi32>
          %rev3A_485 = arith.subi %rev3A_483, %rev3A_484 : vector<16xi32>
          %rev3A_486 = tpu.dynamic_gather %masked_sort3A_378[%rev3A_485] in [0] : vector<16xf32>, vector<16xi32> -> vector<16xf32>
          %max3A_487 = arith.maximumf %scan3A_270, %rev3A_486 : vector<16xf32>
          %rev3A_488 = arith.constant 15 : i32
          %rev3A_489 = vector.broadcast %rev3A_488 : i32 to vector<16xi32>
          %rev3A_490 = tpu.iota {dimensions = array<i32: 0>} : vector<16xi32>
          %rev3A_491 = arith.subi %rev3A_489, %rev3A_490 : vector<16xi32>
          %rev3A_492 = tpu.dynamic_gather %masked_sort3A_373[%rev3A_491] in [0] : vector<16xf32>, vector<16xi32> -> vector<16xf32>
          %max3A_493 = arith.maximumf %scan3A_271, %rev3A_492 : vector<16xf32>
          %rev3A_494 = arith.constant 15 : i32
          %rev3A_495 = vector.broadcast %rev3A_494 : i32 to vector<16xi32>
          %rev3A_496 = tpu.iota {dimensions = array<i32: 0>} : vector<16xi32>
          %rev3A_497 = arith.subi %rev3A_495, %rev3A_496 : vector<16xi32>
          %rev3A_498 = tpu.dynamic_gather %masked_sort3A_368[%rev3A_497] in [0] : vector<16xf32>, vector<16xi32> -> vector<16xf32>
          %max3A_499 = arith.maximumf %scan3A_272, %rev3A_498 : vector<16xf32>
          %rev3A_500 = arith.constant 15 : i32
          %rev3A_501 = vector.broadcast %rev3A_500 : i32 to vector<16xi32>
          %rev3A_502 = tpu.iota {dimensions = array<i32: 0>} : vector<16xi32>
          %rev3A_503 = arith.subi %rev3A_501, %rev3A_502 : vector<16xi32>
          %rev3A_504 = tpu.dynamic_gather %masked_sort3A_363[%rev3A_503] in [0] : vector<16xf32>, vector<16xi32> -> vector<16xf32>
          %max3A_505 = arith.maximumf %scan3A_273, %rev3A_504 : vector<16xf32>
          %max3A_506 = arith.maximumf %max3A_487, %max3A_499 : vector<16xf32>
          %max3A_507 = arith.maximumf %max3A_493, %max3A_505 : vector<16xf32>
          %min3A_508 = arith.minimumf %max3A_487, %max3A_499 : vector<16xf32>
          %min3A_509 = arith.minimumf %max3A_493, %max3A_505 : vector<16xf32>
          %max3A_510 = arith.maximumf %max3A_506, %max3A_507 : vector<16xf32>
          %masked_sort3A_511 = arith.constant dense<true> : vector<16xi1>
          %masked_sort3A_512, %masked_sort3A_513, %masked_sort3A_514 = tpu.sort %max3A_510, %max3A_510 masked %masked_sort3A_511 {descending = true} : (vector<16xf32>, vector<16xf32>, vector<16xi1>) -> (vector<16xi1>, vector<16xf32>, vector<16xf32>)
          %min3A_515 = arith.minimumf %max3A_506, %max3A_507 : vector<16xf32>
          %masked_sort3A_516 = arith.constant dense<true> : vector<16xi1>
          %masked_sort3A_517, %masked_sort3A_518, %masked_sort3A_519 = tpu.sort %min3A_515, %min3A_515 masked %masked_sort3A_516 {descending = true} : (vector<16xf32>, vector<16xf32>, vector<16xi1>) -> (vector<16xi1>, vector<16xf32>, vector<16xf32>)
          %max3A_520 = arith.maximumf %min3A_508, %min3A_509 : vector<16xf32>
          %masked_sort3A_521 = arith.constant dense<true> : vector<16xi1>
          %masked_sort3A_522, %masked_sort3A_523, %masked_sort3A_524 = tpu.sort %max3A_520, %max3A_520 masked %masked_sort3A_521 {descending = true} : (vector<16xf32>, vector<16xf32>, vector<16xi1>) -> (vector<16xi1>, vector<16xf32>, vector<16xf32>)
          %min3A_525 = arith.minimumf %min3A_508, %min3A_509 : vector<16xf32>
          %masked_sort3A_526 = arith.constant dense<true> : vector<16xi1>
          %masked_sort3A_527, %masked_sort3A_528, %masked_sort3A_529 = tpu.sort %min3A_525, %min3A_525 masked %masked_sort3A_526 {descending = true} : (vector<16xf32>, vector<16xf32>, vector<16xi1>) -> (vector<16xi1>, vector<16xf32>, vector<16xf32>)
          %rev3A_530 = arith.constant 15 : i32
          %rev3A_531 = vector.broadcast %rev3A_530 : i32 to vector<16xi32>
          %rev3A_532 = tpu.iota {dimensions = array<i32: 0>} : vector<16xi32>
          %rev3A_533 = arith.subi %rev3A_531, %rev3A_532 : vector<16xi32>
          %rev3A_534 = tpu.dynamic_gather %masked_sort3A_480[%rev3A_533] in [0] : vector<16xf32>, vector<16xi32> -> vector<16xf32>
          %max3A_535 = arith.maximumf %scan3A_274, %rev3A_534 : vector<16xf32>
          %rev3A_536 = arith.constant 15 : i32
          %rev3A_537 = vector.broadcast %rev3A_536 : i32 to vector<16xi32>
          %rev3A_538 = tpu.iota {dimensions = array<i32: 0>} : vector<16xi32>
          %rev3A_539 = arith.subi %rev3A_537, %rev3A_538 : vector<16xi32>
          %rev3A_540 = tpu.dynamic_gather %masked_sort3A_475[%rev3A_539] in [0] : vector<16xf32>, vector<16xi32> -> vector<16xf32>
          %max3A_541 = arith.maximumf %scan3A_275, %rev3A_540 : vector<16xf32>
          %rev3A_542 = arith.constant 15 : i32
          %rev3A_543 = vector.broadcast %rev3A_542 : i32 to vector<16xi32>
          %rev3A_544 = tpu.iota {dimensions = array<i32: 0>} : vector<16xi32>
          %rev3A_545 = arith.subi %rev3A_543, %rev3A_544 : vector<16xi32>
          %rev3A_546 = tpu.dynamic_gather %masked_sort3A_470[%rev3A_545] in [0] : vector<16xf32>, vector<16xi32> -> vector<16xf32>
          %max3A_547 = arith.maximumf %scan3A_276, %rev3A_546 : vector<16xf32>
          %rev3A_548 = arith.constant 15 : i32
          %rev3A_549 = vector.broadcast %rev3A_548 : i32 to vector<16xi32>
          %rev3A_550 = tpu.iota {dimensions = array<i32: 0>} : vector<16xi32>
          %rev3A_551 = arith.subi %rev3A_549, %rev3A_550 : vector<16xi32>
          %rev3A_552 = tpu.dynamic_gather %masked_sort3A_465[%rev3A_551] in [0] : vector<16xf32>, vector<16xi32> -> vector<16xf32>
          %max3A_553 = arith.maximumf %scan3A_277, %rev3A_552 : vector<16xf32>
          %max3A_554 = arith.maximumf %max3A_535, %max3A_547 : vector<16xf32>
          %max3A_555 = arith.maximumf %max3A_541, %max3A_553 : vector<16xf32>
          %min3A_556 = arith.minimumf %max3A_535, %max3A_547 : vector<16xf32>
          %min3A_557 = arith.minimumf %max3A_541, %max3A_553 : vector<16xf32>
          %max3A_558 = arith.maximumf %max3A_554, %max3A_555 : vector<16xf32>
          %masked_sort3A_559 = arith.constant dense<true> : vector<16xi1>
          %masked_sort3A_560, %masked_sort3A_561, %masked_sort3A_562 = tpu.sort %max3A_558, %max3A_558 masked %masked_sort3A_559 {descending = true} : (vector<16xf32>, vector<16xf32>, vector<16xi1>) -> (vector<16xi1>, vector<16xf32>, vector<16xf32>)
          %min3A_563 = arith.minimumf %max3A_554, %max3A_555 : vector<16xf32>
          %masked_sort3A_564 = arith.constant dense<true> : vector<16xi1>
          %masked_sort3A_565, %masked_sort3A_566, %masked_sort3A_567 = tpu.sort %min3A_563, %min3A_563 masked %masked_sort3A_564 {descending = true} : (vector<16xf32>, vector<16xf32>, vector<16xi1>) -> (vector<16xi1>, vector<16xf32>, vector<16xf32>)
          %max3A_568 = arith.maximumf %min3A_556, %min3A_557 : vector<16xf32>
          %masked_sort3A_569 = arith.constant dense<true> : vector<16xi1>
          %masked_sort3A_570, %masked_sort3A_571, %masked_sort3A_572 = tpu.sort %max3A_568, %max3A_568 masked %masked_sort3A_569 {descending = true} : (vector<16xf32>, vector<16xf32>, vector<16xi1>) -> (vector<16xi1>, vector<16xf32>, vector<16xf32>)
          %min3A_573 = arith.minimumf %min3A_556, %min3A_557 : vector<16xf32>
          %masked_sort3A_574 = arith.constant dense<true> : vector<16xi1>
          %masked_sort3A_575, %masked_sort3A_576, %masked_sort3A_577 = tpu.sort %min3A_573, %min3A_573 masked %masked_sort3A_574 {descending = true} : (vector<16xf32>, vector<16xf32>, vector<16xi1>) -> (vector<16xi1>, vector<16xf32>, vector<16xf32>)
          scf.yield %masked_sort3A_513, %masked_sort3A_518, %masked_sort3A_523, %masked_sort3A_528, %masked_sort3A_561, %masked_sort3A_566, %masked_sort3A_571, %masked_sort3A_576 : vector<16xf32>, vector<16xf32>, vector<16xf32>, vector<16xf32>, vector<16xf32>, vector<16xf32>, vector<16xf32>, vector<16xf32>
        }
        %scan3A_239 = arith.constant 63 : i32
        %mul3A_240 = arith.constant 8 : i32
        %mul3A_241 = arith.muli %add3A_44, %mul3A_240 : i32
        %add3A_242 = arith.addi %mul3A_241, %mul3A_52 : i32
        %swap3A = arith.index_cast %add3A_242 : i32 to index
        %swap3A_243 = arith.constant 0 : index
        %swap3A_244 = tpu.vector_load %arg6[%swap3A, %swap3A_243] {strides = array<i32>} : memref<128x64xf32, #tpu.memory_space<vmem>>, vector<16xf32>,
        tpu.vector_store %arg6[%swap3A, %swap3A_243], %scan3A_238#0 {strides = array<i32>} : memref<128x64xf32, #tpu.memory_space<vmem>>, vector<16xf32>,
        %swap3A_245 = arith.index_cast %add3A_242 : i32 to index
        %swap3A_246 = arith.constant 16 : index
        %swap3A_247 = tpu.vector_load %arg6[%swap3A_245, %swap3A_246] {strides = array<i32>} : memref<128x64xf32, #tpu.memory_space<vmem>>, vector<16xf32>,
        tpu.vector_store %arg6[%swap3A_245, %swap3A_246], %scan3A_238#1 {strides = array<i32>} : memref<128x64xf32, #tpu.memory_space<vmem>>, vector<16xf32>,
        %swap3A_248 = arith.index_cast %add3A_242 : i32 to index
        %swap3A_249 = arith.constant 32 : index
        %swap3A_250 = tpu.vector_load %arg6[%swap3A_248, %swap3A_249] {strides = array<i32>} : memref<128x64xf32, #tpu.memory_space<vmem>>, vector<16xf32>,
        tpu.vector_store %arg6[%swap3A_248, %swap3A_249], %scan3A_238#2 {strides = array<i32>} : memref<128x64xf32, #tpu.memory_space<vmem>>, vector<16xf32>,
        %swap3A_251 = arith.index_cast %add3A_242 : i32 to index
        %swap3A_252 = arith.constant 48 : index
        %swap3A_253 = tpu.vector_load %arg6[%swap3A_251, %swap3A_252] {strides = array<i32>} : memref<128x64xf32, #tpu.memory_space<vmem>>, vector<16xf32>,
        tpu.vector_store %arg6[%swap3A_251, %swap3A_252], %scan3A_238#3 {strides = array<i32>} : memref<128x64xf32, #tpu.memory_space<vmem>>, vector<16xf32>,
        %mul3A_254 = arith.constant 8 : i32
        %mul3A_255 = arith.muli %add3A_44, %mul3A_254 : i32
        %add3A_256 = arith.addi %mul3A_255, %add3A_54 : i32
        %swap3A_257 = arith.index_cast %add3A_256 : i32 to index
        %swap3A_258 = arith.constant 0 : index
        %swap3A_259 = tpu.vector_load %arg6[%swap3A_257, %swap3A_258] {strides = array<i32>} : memref<128x64xf32, #tpu.memory_space<vmem>>, vector<16xf32>,
        tpu.vector_store %arg6[%swap3A_257, %swap3A_258], %scan3A_238#4 {strides = array<i32>} : memref<128x64xf32, #tpu.memory_space<vmem>>, vector<16xf32>,
        %swap3A_260 = arith.index_cast %add3A_256 : i32 to index
        %swap3A_261 = arith.constant 16 : index
        %swap3A_262 = tpu.vector_load %arg6[%swap3A_260, %swap3A_261] {strides = array<i32>} : memref<128x64xf32, #tpu.memory_space<vmem>>, vector<16xf32>,
        tpu.vector_store %arg6[%swap3A_260, %swap3A_261], %scan3A_238#5 {strides = array<i32>} : memref<128x64xf32, #tpu.memory_space<vmem>>, vector<16xf32>,
        %swap3A_263 = arith.index_cast %add3A_256 : i32 to index
        %swap3A_264 = arith.constant 32 : index
        %swap3A_265 = tpu.vector_load %arg6[%swap3A_263, %swap3A_264] {strides = array<i32>} : memref<128x64xf32, #tpu.memory_space<vmem>>, vector<16xf32>,
        tpu.vector_store %arg6[%swap3A_263, %swap3A_264], %scan3A_238#6 {strides = array<i32>} : memref<128x64xf32, #tpu.memory_space<vmem>>, vector<16xf32>,
        %swap3A_266 = arith.index_cast %add3A_256 : i32 to index
        %swap3A_267 = arith.constant 48 : index
        %swap3A_268 = tpu.vector_load %arg6[%swap3A_266, %swap3A_267] {strides = array<i32>} : memref<128x64xf32, #tpu.memory_space<vmem>>, vector<16xf32>,
        tpu.vector_store %arg6[%swap3A_266, %swap3A_267], %scan3A_238#7 {strides = array<i32>} : memref<128x64xf32, #tpu.memory_space<vmem>>, vector<16xf32>,
      }
      %scan3A_49 = arith.constant 4 : i32
    }
    %scan3A_12 = arith.constant 8 : i32
    "tpu.region"() ({
      %run_scoped3A = tpu.sem_alloc : memref<!tpu.dma_semaphore, #tpu.memory_space<semaphore_mem>>
      %dma_start3A_13 = arith.constant 0 : i32
      %dma_start3A_14 = tpu.memref_slice %arg3[%mul3A_2, %dma_start3A_13] : memref<4096x64xf32, #tpu.memory_space<hbm>> -> memref<128x64xf32, #tpu.memory_space<hbm>>
      %dma_start3A_15 = arith.constant 0 : i32
      %dma_start3A_16 = tpu.memref_slice %arg3[%mul3A_2, %dma_start3A_15] : memref<4096x64xf32, #tpu.memory_space<hbm>> -> memref<128x64xf32, #tpu.memory_space<hbm>>
      tpu.enqueue_dma source(%arg6 : memref<128x64xf32, #tpu.memory_space<vmem>>) target(%dma_start3A_16 : memref<128x64xf32, #tpu.memory_space<hbm>>) target_semaphore(%run_scoped3A : memref<!tpu.dma_semaphore, #tpu.memory_space<semaphore_mem>>)
      %dma_wait3A = arith.constant 0 : i32
      %dma_wait3A_17 = tpu.memref_slice %arg3[%mul3A_2, %dma_wait3A] : memref<4096x64xf32, #tpu.memory_space<hbm>> -> memref<128x64xf32, #tpu.memory_space<hbm>>
      %dma_wait3A_18 = arith.constant 0 : i32
      %dma_wait3A_19 = tpu.memref_slice %arg3[%mul3A_2, %dma_wait3A_18] : memref<4096x64xf32, #tpu.memory_space<hbm>> -> memref<128x64xf32, #tpu.memory_space<hbm>>
      tpu.wait_dma2 semaphore(%run_scoped3A : memref<!tpu.dma_semaphore, #tpu.memory_space<semaphore_mem>>) src(%arg6 : memref<128x64xf32, #tpu.memory_space<vmem>>) dst(%dma_wait3A_19 : memref<128x64xf32, #tpu.memory_space<hbm>>)
      tpu.yield
    }) : () -> ()
    return
  }
}

</mosaic_0001>

<sc_bundles>
// kernel: kernel.3.cloned.1.call-start
scs
__scs_entry_jumppad:
0x0: {  	(pc) =	sbr.rel $0x88, $3  }
0x1: {  	(tag) =	ssettag $0x0;
	lr =	simm.s32 $0x1  }
0x2: {  	[smem:$0x3FA0] =	sst lr;
	_ =	strace $0xD0000000  }
0x3: {  	_ = 	snop  }
0x4: {  	_ = 	snop  }
0x5: {  	_ = 	snop  }
0x6: {  	_ = 	snop  }
0x7: {  	_ = 	snop  }
__scs_overlays_trampoline_lowered:
0x8: {  	[smem:$0x3FAF] =	sst s0  }
0x9: {  	[smem:$0x3FB0] =	sst s1  }
0xa: {  	[smem:$0x3FB1] =	sst s2  }
0xb: {  	[smem:$0x3FB2] =	sst s3  }
0xc: {  	[smem:$0x3FB3] =	sst s4  }
0xd: {  	[smem:$0x3FB4] =	sst s5  }
0xe: {  	[smem:$0x3FB5] =	sst s6  }
0xf: {  	[smem:$0x3FB6] =	sst s7  }
0x10: {  	[smem:$0x3FB7] =	sst s8  }
0x11: {  	[smem:$0x3FB8] =	sst s9;
	s0 =	simm.s32 @!p0 $0x0  }
0x12: {  	s1 =	sld [smem:$0x3F9E];
	s0 =	simm.s32 @p0 $0x1  }
0x13: {  	[smem:$0x3FB9] =	sst s0;
	s0 =	simm.s32 @!p1 $0x0  }
0x14: {  	s2 =	sld [smem:$0x3F9D];
	s0 =	simm.s32 @p1 $0x1  }
0x15: {  	[smem:$0x3FBA] =	sst s0;
	s0 =	simm.s32 @!p2 $0x0  }
0x16: {  	s3 =	sld [smem:$0x3FDB];
	s0 =	simm.s32 @p2 $0x1  }
0x17: {  	s4 =	simm.s32 $0x1BF5;
	[smem:$0x3FBC] =	sst s0  }
0x18: {  	s0 =	sld [smem:$0x3F9F];
	_ =	swait.ge [sflag:s4], $0x0  }
0x19: {  	s7 =	sld [smem:$0x3FA0]  }
0x1a: {  	s8 =	sadd.s32 $0xFFFFE003, lr  }
0x1b: {  	s9 =	sadd.s32 $0xFFFFFEF7, lr;
	s5 =	simm.s32 $0xFFFFFFFF;
	p2 =	slt.u32 s8, $0xFFFFF086  }
0x1c: {  	p1 =	slt.u32 s9, $0xF7A;
	s5 =	simm.s32 @!p2 $0x0  }
0x1d: {  	s5 =	simm.s32 @p1 $0x1;
	p0 =	seq.s32 s7, s2  }
0x1e: {  	s7 =	smul.u32 @!p0 $0xF7A, s2;
	p2 =	seq.s32 @!p0 s5, $0x0  }
0x1f: {  	s9 =	smul.u32 $0xF7A, s1;
	s8 =	simm.s32 @!p0 $0x1BF5;
	p2 =	por !p2, p0  }
0x20: {  	[sflag:s8] =	ssyncset.s32 @!p0 $0xFFFFF086;
	s6 =	sadd.s32 @!p0 s3, s7;
	s7 =	simm.s32 @!p0 $0x108  }
0x21: {  	s3 =	sadd.s32 s3, s9;
	s6 =	sadd.s32 @!p0 $0x88, s6;
	s7 =	simm.s32 @p2 $0x1082  }
0x22: {  	[simem:s7], [sflag:s8] =	dma.local @!p0 [hbm:s6], $0xF7A  }
0x23: {  	s9 =	sor.u32 $0xD0000000, s2;
	s6 =	simm.s32 $0x108;
	_ =	swait.ge @!p0 [sflag:s8], $0x0  }
0x24: {  	s3 =	sadd.s32 $0x88, s3;
	s6 =	simm.s32 @!p1 $0x1082;
	[sflag:s4] =	ssyncset.s32 $0xFFFFF086  }
0x25: {  	[simem:s6], [sflag:s4] =	dma.local [hbm:s3], $0xF7A  }
0x26: {  	[smem:$0x3FA0] =	sst s1;
	(tag) =	ssettag s2;
	_ =	strace s9  }
0x27: {  	s1 =	sld [smem:$0x3FB0]  }
0x28: {  	s2 =	sld [smem:$0x3FB1]  }
0x29: {  	s4 =	sld [smem:$0x3FB3]  }
0x2a: {  	p0 =	seq.s32 s5, $0x0;
	s5 =	sld [smem:$0x3FB4]  }
0x2b: {  	s6 =	sld [smem:$0x3FB5]  }
0x2c: {  	s7 =	sld [smem:$0x3FB6]  }
0x2d: {  	s3 =	simm.s32 $0x108;
	s8 =	sld [smem:$0x3FB7]  }
0x2e: {  	s3 =	simm.s32 @!p0 $0x1082;
	s9 =	sld [smem:$0x3FB8]  }
0x2f: {  	lr =	sadd.s32 s0, s3;
	s0 =	sld [smem:$0x3FAF]  }
0x30: {  	s3 =	sld [smem:$0x3FB2]  }
0x31: {  	[smem:$0x3FBB] =	sst s10  }
0x32: {  	s10 =	sld [smem:$0x3FB9];
	_ =	sdelay $0x3  }
0x33: {  	p0 =	seq.s32 s10, $0x1;
	s10 =	sld [smem:$0x3FBB];
	_ =	sdelay $0x3  }
0x34: {  	[smem:$0x3FBB] =	sst s10  }
0x35: {  	s10 =	sld [smem:$0x3FBA];
	_ =	sdelay $0x3  }
0x36: {  	p1 =	seq.s32 s10, $0x1;
	s10 =	sld [smem:$0x3FBB];
	_ =	sdelay $0x3  }
0x37: {  	[smem:$0x3FBB] =	sst s10  }
0x38: {  	s10 =	sld [smem:$0x3FBC]  }
0x39: {  	_ = 	snop;
	(pc) =	sbr.ind lr, $3  }
0x3a: {  	_ = 	snop  }
0x3b: {  	_ = 	snop  }
0x3c: {  	p2 =	seq.s32 s10, $0x1;
	s10 =	sld [smem:$0x3FBB]  }
0x3d: {  	_ =	shalt  }
0x3e: {  	_ =	shalt  }
0x3f: {  	_ =	shalt  }
0x40: {  	_ =	shalt  }
0x41: {  	_ =	shalt  }
0x42: {  	_ =	shalt  }
0x43: {  	_ =	shalt  }
0x44: {  	_ =	shalt  }
0x45: {  	_ =	shalt  }
0x46: {  	_ =	shalt  }
0x47: {  	_ =	shalt  }
0x48: {  	_ =	shalt  }
0x49: {  	_ =	shalt  }
0x4a: {  	_ =	shalt  }
0x4b: {  	_ =	shalt  }
0x4c: {  	_ =	shalt  }
0x4d: {  	_ =	shalt  }
0x4e: {  	_ =	shalt  }
0x4f: {  	_ =	shalt  }
0x50: {  	_ =	shalt  }
0x51: {  	_ =	shalt  }
0x52: {  	_ =	shalt  }
0x53: {  	_ =	shalt  }
0x54: {  	_ =	shalt  }
0x55: {  	_ =	shalt  }
0x56: {  	_ =	shalt  }
0x57: {  	_ =	shalt  }
0x58: {  	_ =	shalt  }
0x59: {  	_ =	shalt  }
0x5a: {  	_ =	shalt  }
0x5b: {  	_ =	shalt  }
0x5c: {  	_ =	shalt  }
0x5d: {  	_ =	shalt  }
0x5e: {  	_ =	shalt  }
0x5f: {  	_ =	shalt  }
0x60: {  	_ =	shalt  }
0x61: {  	_ =	shalt  }
0x62: {  	_ =	shalt  }
0x63: {  	_ =	shalt  }
0x64: {  	_ =	shalt  }
0x65: {  	_ =	shalt  }
0x66: {  	_ =	shalt  }
0x67: {  	_ =	shalt  }
0x68: {  	_ =	shalt  }
0x69: {  	_ =	shalt  }
0x6a: {  	_ =	shalt  }
0x6b: {  	_ =	shalt  }
0x6c: {  	_ =	shalt  }
0x6d: {  	_ =	shalt  }
0x6e: {  	_ =	shalt  }
0x6f: {  	_ =	shalt  }
0x70: {  	_ =	shalt  }
0x71: {  	_ =	shalt  }
0x72: {  	_ =	shalt  }
0x73: {  	_ =	shalt  }
0x74: {  	_ =	shalt  }
0x75: {  	_ =	shalt  }
0x76: {  	_ =	shalt  }
0x77: {  	_ =	shalt  }
0x78: {  	_ =	shalt  }
0x79: {  	_ =	shalt  }
0x7a: {  	_ =	shalt  }
0x7b: {  	_ =	shalt  }
0x7c: {  	_ =	shalt  }
0x7d: {  	_ =	shalt  }
0x7e: {  	_ =	shalt  }
0x7f: {  	_ =	shalt  }
0x80: {  	_ =	shalt  }
0x81: {  	_ =	shalt  }
0x82: {  	_ =	shalt  }
0x83: {  	_ =	shalt  }
0x84: {  	_ =	shalt  }
0x85: {  	_ =	shalt  }
0x86: {  	_ =	shalt  }
0x87: {  	_ =	shalt  }
.Lfunc_end0:
.L_simem_size_0:
called_computation.1_lowered:
.L_overlay_start_0:
0x88: {  	s2 =	sld [smem:$0x3FD9]  }
0x89: {  	s3 =	sld [smem:$0x3FFE];
	_ =	sdelay $0x1  }
0x8a: {  	s1 =	srdreg.scid  }
0x8b: {  	s0 =	sand.u32 $0x1, s1  }
0x8c: {  	s16 =	sshll.u32 s0, $0xA;
	s2 =	sadd.s32 s3, s2  }
0x8d: {  	s2 =	sadd.s32 s2, s16  }
0x8e: {  	[smem:$0x3FC7] =	sst s2  }
0x8f: {  	_ = 	snop  }
0x90: {  	(tm) =	ssettm $0x1  }
0x91: {  	s17 =	sld [smem:$0x3FFB];
	_ =	sdelay $0x3  }
0x92: {  	_ =	strace s17  }
0x93: {  	s2 =	sld [smem:$0x3FFC];
	_ =	sdelay $0x3  }
0x94: {  	_ =	strace s2  }
0x95: {  	s2 =	sld [smem:$0x3FFD];
	_ =	sdelay $0x3  }
0x96: {  	_ =	strace s2  }
0x97: {  	_ =	strace $0x8FFFFFFF  }
0x98: {  	s18 =	sld [smem:$0x3FDB];
	_ =	sdelay $0x1  }
0x99: {  	s19 =	simm.s32 $_scs_section_size  }
0x9a: {  	s4 =	simm.s32 $_size__tile_overlayer_lowered;
	s5 =	simm.s32 $_tile_overlayer_lowered  }
0x9b: {  	s22 =	simm.s32 $0x1BFF;
	s21 =	sshll.u32 s5, $0x1;
	s2 =	sadd.s32 s19, s18  }
0x9c: {  	s6 =	simm.s32 $0x0;
	s20 =	sshll.u32 s4, $0x1;
	s4 =	sadd.s32 s21, s2  }
0x9d: {  	[timem:s6], [sflag:s22] =	dma.local [hbm:s4], s20  }
0x9e: {  	_ =	swait.ge [sflag:s22], s20  }
0x9f: {  	s3 =	ssub.s32 $0x0, s20;
	[sflag:s22] =	ssyncset.done $0x0  }
0xa0: {  	[sflag:s22] =	ssyncadd.s32 s3;
	_ =	sdelay $0x1  }
0xa1: {  	s23 =	simm.s32 $0x1B8B  }
0xa2: {  	_ =	swait.ge [sflag:s23], $0x1  }
0xa3: {  	[sflag:s23] =	ssyncset.done $0x0  }
0xa4: {  	s25 =	simm.s32 $0x1B8E;
	s24 =	sld [smem:$0x3FFE];
	[sflag:s23] =	ssyncadd.s32 $0xFFFFFFFF  }
0xa5: {  	s26 =	simm.s32 $execute0_lowered;
	[smem:$0x3FD2] =	sst s25  }
0xa6: {  	s4 =	sshll.u32 s26, $0x1;
	_ =	strace $0x80000049;
	[dreg:$0x1] =	wrdreg $0xFFFFFFFF  }
0xa7: {  	s28 =	simm.s32 $_size_execute0_lowered;
	s2 =	sadd.s32 s2, s4;
	[dreg:$0x0] =	wrdreg $0x0  }
0xa8: {  	s4 =	sshll.u32 s28, $0x1;
	[dreg:$0x2] =	wrdreg s2  }
0xa9: {  	[dreg:$0x3] =	wrdreg s4  }
0xaa: {  	[dreg:$0x4] =	wrdreg $0xC0  }
0xab: {  	_ =	task [dreg:s6], $0x5FFFF  }
0xac: {  	[dreg:$0x1] =	wrdreg $0xFFFFFFFF  }
0xad: {  	[dreg:$0x0] =	wrdreg $0x60  }
0xae: {  	[dreg:$0x2] =	wrdreg s24  }
0xaf: {  	[dreg:$0x3] =	wrdreg $0x9  }
0xb0: {  	_ =	task.clear_ibuf [dreg:s6], $0x4FFFF;
	_ =	strace $0x90000049  }
0xb1: {  	s29 =	simm.s32 $0x9;
	_ =	strace $0x8000004B  }
0xb2: {  	_ =	swait.ge [sflag:s29], $0x1  }
0xb3: {  	[sflag:s29] =	ssyncadd.s32 $0xFFFFFFFF  }
0xb4: {  	_ =	strace $0x9000004B  }
0xb5: {  	_ =	sfence  }
0xb6: {  	s30 =	sld [smem:$0x0];
	_ =	sdelay $0x2  }
0xb7: {  	s31 =	sshll.u32 s1, $0xD;
	s1 =	sshrl.u32 s1, $0x2  }
0xb8: {  	s3 =	sand.u32 $0x4000, s31;
	s1 =	sadd.s32 s1, s30  }
0xb9: {  	s0 =	sor.u32 s3, s0;
	s1 =	sshll.u32 s1, $0x11  }
0xba: {  	s0 =	sor.u32 s1, s0  }
0xbb: {  	s0 =	sadd.s32 $0x8F2B, s0  }
0xbc: {  	[sflag:s0] =	ssyncadd.remote.s32 $0x1  }
0xbd: {  	_ =	sfence.sel $0xFFFF  }
0xbe: {  	[dreg:$0x0] =	wrdreg $0xFFFFFFFF;
	(pc) =	sbr.abs _section_cstart, $3  }
0xbf: {  	[dreg:$0x1] =	wrdreg $0xFFFFFFFF  }
0xc0: {  	_ =	task.clear_ibuf [dreg:s6], $0x2FFFF;
	_ =	strace $0x9FFFFFFF  }
0xc1: {  	(tm) =	ssettm $0x7FFFFFFF  }
tec
execute0_lowered:
.L_overlay_start_1:
0x0: {  	(tag) =	ssettag $0x1  }
0x1: {  	s5 =	rddreg [dreg:$0x0];
	s2 =	simm.s32 $0x0  }
0x2: {  	s3 =	srdreg.scid;
	s0 =	stileid.u32;
	s10 =	simm.s32 $0x8000  }
0x3: {  	s11 =	simm.s32 $0x2;
	s13 =	simm.s32 $0x3;
	s14 =	simm.s32 $0x0  }
0x4: {  	[smem:$0x7FF] =	sst s2;
	s6 =	sand.u32 $0x1, s3;
	s4 =	sshll.u32 s0, $0x8  }
0x5: {  	s3 =	sadd.s32 $0x800, s5;
	s7 =	sshll.u32 s6, $0x7;
	s6 =	ssub.s32 $0x2, s6  }
0x6: {  	v0 =	vlaneseq.u32;
	_ =	strace $0x8000004A;
	s4 =	sor.u32 s7, s4;
	s8 =	sshrl.u32 s6, $0x1  }
0x7: {  	v0 =	vmul.u32 $0xFFFFFFFF, v0;
	s7 =	sshll.u32 s4, $0x4;
	s9 =	sshll.u32 s4, $0x9;
	s8 =	ssub.s32 s6, s8  }
0x8: {  	s6 =	sor.u32 $0x10, s4;
	s7 =	sadd.s32 s7, s5;
	s5 =	sadd.s32 s3, s9  }
0x9: {  	v0 =	vadd.s32 $0xF, v0;
	s8 =	smax.u32 s8, $0x1;
	s9 =	simm.s32 $0x1;
	s7 =	sadd.s32 $0x200800, s7  }
.LBB2_1:
0xa: {  	[tilespmem:s2], [sflag:$0x1] =	stream.linear.gather [hbm4b:s5+s2], $0x8000, $0x38;
	[tilespmem:$0x14000] =	vst v63  }
0xb: {  	s15 =	simm.s32 $0x0  }
.LBB2_2:
0xc: {  	s17 =	sshll.u32 s15, $0x4  }
0xd: {  	s16 =	sor.u32 $0x8, s17  }
0xe: {  	_ =	swait.ge [sflag:s9], $0x8000;
	s18 =	sadd.s32 s4, s16  }
0xf: {  	[sflag:s9] =	ssyncset.done $0x0;
	s18 =	sshll.u32 s18, $0x9  }
0x10: {  	[sflag:s9] =	ssyncadd.s32 $0xFFFF8000;
	s19 =	sadd.s32 s3, s18;
	s18 =	simm.s32 $0x0  }
0x11: {  	[tilespmem:s10], [sflag:$0x2] =	stream.linear.gather [hbm4b:s19+s18], $0x8000, $0x38;
	[tilespmem:$0x14000] =	vst v63  }
.LBB2_3:
0x12: {  	s20 =	sshll.u32 s18, $0x8  }
0x13: {  	v1 =	vld [tilespmem:s20+$0x0]  }
0x14: {  	v2 =	vld [tilespmem:s20+$0x10]  }
0x15: {  	v3 =	vld [tilespmem:s20+$0x20]  }
0x16: {  	v4 =	vld [tilespmem:s20+$0x30];
	_ =	sdelay $0x1  }
0x17: {  	(xrf1) =	vsort.dscd.msk.f32 $0xffff, v1, v1  }
0x18: {  	(xrf1) =	vsort.dscd.msk.f32 $0xffff, v2, v2  }
0x19: {  	(xrf1) =	vsort.dscd.msk.f32 $0xffff, v3, v3  }
0x1a: {  	(xrf1) =	vsort.dscd.msk.f32 $0xffff, v4, v4;
	_ =	sdelay $0xa  }
0x1b: {  	v1, _, _ =	vpop (xrf1)  }
0x1c: {  	v2, _, _ =	vpop (xrf1)  }
0x1d: {  	v3, _, _ =	vpop (xrf1);
	v2 =	vperm.xlane v2, v0  }
0x1e: {  	v4, _, _ =	vpop (xrf1)  }
0x1f: {  	v5 =	vmax.f32 v1, v2;
	v4 =	vperm.xlane v4, v0  }
0x20: {  	v1 =	vmin.f32 v1, v2;
	(xrf1) =	vsort.dscd.msk.f32 $0xffff, v5, v5  }
0x21: {  	(xrf1) =	vsort.dscd.msk.f32 $0xffff, v1, v1;
	v1 =	vmax.f32 v3, v4  }
0x22: {  	(xrf1) =	vsort.dscd.msk.f32 $0xffff, v1, v1;
	v1 =	vmin.f32 v3, v4  }
0x23: {  	(xrf1) =	vsort.dscd.msk.f32 $0xffff, v1, v1;
	_ =	sdelay $0xa  }
0x24: {  	v1, _, _ =	vpop (xrf1)  }
0x25: {  	v2, _, _ =	vpop (xrf1)  }
0x26: {  	v3, _, _ =	vpop (xrf1)  }
0x27: {  	v4, _, _ =	vpop (xrf1)  }
0x28: {  	v3 =	vperm.xlane v3, v0;
	v4 =	vperm.xlane v4, v0  }
0x29: {  	s19 =	sshllo.u32 s18, $0x1  }
0x2a: {  	s21 =	sshll.u32 s19, $0x7;
	v6 =	vmax.f32 v2, v3;
	v5 =	vmax.f32 v1, v4  }
0x2b: {  	v7 =	vld [tilespmem:s21+$0x0];
	v1 =	vmin.f32 v1, v4;
	v4 =	vmax.f32 v5, v6  }
0x2c: {  	v2 =	vmin.f32 v2, v3;
	v3 =	vmin.f32 v5, v6;
	(xrf1) =	vsort.dscd.msk.f32 $0xffff, v4, v4;
	v4 =	vld [tilespmem:s21+$0x10]  }
0x2d: {  	v5 =	vld [tilespmem:s21+$0x20];
	(xrf1) =	vsort.dscd.msk.f32 $0xffff, v3, v3;
	v3 =	vmax.f32 v1, v2  }
0x2e: {  	v1 =	vmin.f32 v1, v2;
	v2 =	vld [tilespmem:s21+$0x30];
	(xrf1) =	vsort.dscd.msk.f32 $0xffff, v3, v3  }
0x2f: {  	(xrf1) =	vsort.dscd.msk.f32 $0xffff, v1, v1  }
0x30: {  	(xrf1) =	vsort.dscd.msk.f32 $0xffff, v7, v7  }
0x31: {  	(xrf1) =	vsort.dscd.msk.f32 $0xffff, v4, v4  }
0x32: {  	(xrf1) =	vsort.dscd.msk.f32 $0xffff, v5, v5  }
0x33: {  	(xrf1) =	vsort.dscd.msk.f32 $0xffff, v2, v2;
	_ =	sdelay $0x6  }
0x34: {  	v7, _, _ =	vpop (xrf1)  }
0x35: {  	v5, _, _ =	vpop (xrf1)  }
0x36: {  	v9, _, _ =	vpop (xrf1)  }
0x37: {  	v8, _, _ =	vpop (xrf1)  }
0x38: {  	v1, _, _ =	vpop (xrf1)  }
0x39: {  	v2, _, _ =	vpop (xrf1)  }
0x3a: {  	v3, _, _ =	vpop (xrf1);
	v2 =	vperm.xlane v2, v0  }
0x3b: {  	v4, _, _ =	vpop (xrf1)  }
0x3c: {  	v6 =	vmax.f32 v1, v2;
	v4 =	vperm.xlane v4, v0  }
0x3d: {  	v1 =	vmin.f32 v1, v2;
	(xrf1) =	vsort.dscd.msk.f32 $0xffff, v6, v6  }
0x3e: {  	(xrf1) =	vsort.dscd.msk.f32 $0xffff, v1, v1;
	v1 =	vmax.f32 v3, v4  }
0x3f: {  	(xrf1) =	vsort.dscd.msk.f32 $0xffff, v1, v1;
	v1 =	vmin.f32 v3, v4  }
0x40: {  	(xrf1) =	vsort.dscd.msk.f32 $0xffff, v1, v1;
	_ =	sdelay $0xa  }
0x41: {  	v1, _, _ =	vpop (xrf1)  }
0x42: {  	v2, _, _ =	vpop (xrf1)  }
0x43: {  	v3, _, _ =	vpop (xrf1)  }
0x44: {  	s22 =	simm.s32 $0x200;
	v4, _, _ =	vpop (xrf1)  }
0x45: {  	s23 =	simm.s32 $0x40;
	s22 =	sand.u32 $0x7C00, s22;
	v3 =	vperm.xlane v3, v0;
	v4 =	vperm.xlane v4, v0  }
0x46: {  	s23 =	sand.u32 $0x40, s23;
	s24 =	sadd.s32 s20, s22  }
0x47: {  	s25 =	sor.u32 $0x30, s23;
	s22 =	sadd.s32 s21, s22;
	s26 =	sadd.s32 s23, s24;
	v10 =	vmax.f32 v2, v3;
	v6 =	vmax.f32 v1, v4  }
0x48: {  	s28 =	sadd.s32 s25, s22;
	v11 =	vld [tilespmem:s26+$0x0];
	v1 =	vmin.f32 v1, v4;
	v4 =	vmax.f32 v6, v10  }
0x49: {  	s31 =	sor.u32 $0x20, s23;
	s25 =	sadd.s32 s25, s24;
	v2 =	vmin.f32 v2, v3;
	v3 =	vmin.f32 v6, v10;
	(xrf1) =	vsort.dscd.msk.f32 $0xffff, v4, v4;
	v4 =	vld [tilespmem:s28+$0x0]  }
0x4a: {  	s0 =	sadd.s32 s31, s22;
	v6 =	vld [tilespmem:s25+$0x0];
	(xrf1) =	vsort.dscd.msk.f32 $0xffff, v3, v3;
	v3 =	vmax.f32 v1, v2  }
0x4b: {  	s1 =	sadd.s32 s23, s22;
	v1 =	vmin.f32 v1, v2;
	v2 =	vld [tilespmem:s0+$0x0];
	(xrf1) =	vsort.dscd.msk.f32 $0xffff, v3, v3  }
0x4c: {  	s23 =	sor.u32 $0x10, s23;
	s12 =	sadd.s32 s31, s24;
	(xrf1) =	vsort.dscd.msk.f32 $0xffff, v1, v1;
	v1 =	vld [tilespmem:s1+$0x0]  }
0x4d: {  	s22 =	sadd.s32 s23, s22;
	v3 =	vld [tilespmem:s12+$0x0];
	(xrf1) =	vsort.dscd.msk.f32 $0xffff, v11, v11  }
0x4e: {  	v10 =	vld [tilespmem:s22+$0x0];
	(xrf1) =	vsort.dscd.msk.f32 $0xffff, v4, v4  }
0x4f: {  	(xrf1) =	vsort.dscd.msk.f32 $0xffff, v6, v6  }
0x50: {  	s25 =	sadd.s32 s23, s24;
	(xrf1) =	vsort.dscd.msk.f32 $0xffff, v2, v2  }
0x51: {  	v2 =	vld [tilespmem:s25+$0x0];
	(xrf1) =	vsort.dscd.msk.f32 $0xffff, v1, v1  }
0x52: {  	(xrf1) =	vsort.dscd.msk.f32 $0xffff, v3, v3  }
0x53: {  	(xrf1) =	vsort.dscd.msk.f32 $0xffff, v10, v10;
	_ =	sdelay $0x2  }
0x54: {  	(xrf1) =	vsort.dscd.msk.f32 $0xffff, v2, v2  }
0x55: {  	v4, _, _ =	vpop (xrf1)  }
0x56: {  	v1, _, _ =	vpop (xrf1)  }
0x57: {  	v2, _, _ =	vpop (xrf1)  }
0x58: {  	v3, _, _ =	vpop (xrf1)  }
0x59: {  	v6, _, _ =	vpop (xrf1)  }
0x5a: {  	v10, _, _ =	vpop (xrf1)  }
0x5b: {  	v11, _, _ =	vpop (xrf1)  }
0x5c: {  	v12, _, _ =	vpop (xrf1)  }
0x5d: {  	v11 =	vperm.xlane v11, v0;
	v13, _, _ =	vpop (xrf1)  }
0x5e: {  	v10 =	vperm.xlane v10, v0;
	v14, _, _ =	vpop (xrf1)  }
0x5f: {  	v15 =	vmax.f32 v14, v11;
	v16, _, _ =	vpop (xrf1)  }
0x60: {  	(xrf1) =	vsort.dscd.msk.f32 $0xffff, v15, v15;
	v15 =	vmax.f32 v12, v10;
	v16 =	vperm.xlane v16, v0  }
0x61: {  	s26 =	simm.s32 $0x400;
	v11 =	vmin.f32 v14, v11;
	(xrf1) =	vsort.dscd.msk.f32 $0xffff, v15, v15  }
0x62: {  	s22 =	sand.u32 $0x7C00, s26;
	s28 =	simm.s32 $0x80;
	v14, _, _ =	vpop (xrf1);
	(xrf1) =	vsort.dscd.msk.f32 $0xffff, v11, v11;
	v11 =	vmin.f32 v13, v16  }
0x63: {  	s24 =	sadd.s32 s20, s22;
	s23 =	sand.u32 $0x40, s28;
	v10 =	vmin.f32 v12, v10;
	(xrf1) =	vsort.dscd.msk.f32 $0xffff, v11, v11;
	v11 =	vperm.xlane v14, v0  }
0x64: {  	s22 =	sadd.s32 s21, s22;
	s29 =	sor.u32 $0x30, s23;
	s30 =	sadd.s32 s23, s24;
	v12 =	vmax.f32 v13, v16;
	(xrf1) =	vsort.dscd.msk.f32 $0xffff, v10, v10  }
0x65: {  	s31 =	sadd.s32 s29, s22;
	v10 =	vld [tilespmem:s30+$0x0];
	(xrf1) =	vsort.dscd.msk.f32 $0xffff, v12, v12;
	v12 =	vmax.f32 v6, v11  }
0x66: {  	s0 =	sor.u32 $0x20, s23;
	s25 =	sadd.s32 s29, s24;
	v13 =	vld [tilespmem:s31+$0x0];
	v6 =	vmin.f32 v6, v11;
	(xrf1) =	vsort.dscd.msk.f32 $0xffff, v12, v12  }
0x67: {  	s1 =	sadd.s32 s0, s22;
	v11 =	vld [tilespmem:s25+$0x0];
	(xrf1) =	vsort.dscd.msk.f32 $0xffff, v6, v6  }
0x68: {  	s12 =	sadd.s32 s23, s22;
	v6 =	vld [tilespmem:s1+$0x0]  }
0x69: {  	s26 =	sadd.s32 s0, s24;
	v12 =	vld [tilespmem:s12+$0x0]  }
0x6a: {  	v14 =	vld [tilespmem:s26+$0x0];
	(xrf1) =	vsort.dscd.msk.f32 $0xffff, v10, v10  }
0x6b: {  	(xrf1) =	vsort.dscd.msk.f32 $0xffff, v13, v13  }
0x6c: {  	(xrf1) =	vsort.dscd.msk.f32 $0xffff, v11, v11  }
0x6d: {  	s23 =	sor.u32 $0x10, s23;
	(xrf1) =	vsort.dscd.msk.f32 $0xffff, v6, v6  }
0x6e: {  	s22 =	sadd.s32 s23, s22;
	(xrf1) =	vsort.dscd.msk.f32 $0xffff, v12, v12;
	v6, _, _ =	vpop (xrf1)  }
0x6f: {  	v11 =	vld [tilespmem:s22+$0x0];
	(xrf1) =	vsort.dscd.msk.f32 $0xffff, v14, v14;
	v10, _, _ =	vpop (xrf1)  }
0x70: {  	v12, _, _ =	vpop (xrf1)  }
0x71: {  	v13, _, _ =	vpop (xrf1)  }
0x72: {  	s28 =	sadd.s32 s23, s24;
	v15, _, _ =	vpop (xrf1)  }
0x73: {  	v14 =	vld [tilespmem:s28+$0x0];
	v16, _, _ =	vpop (xrf1)  }
0x74: {  	v6 =	vperm.xlane v6, v0;
	(xrf1) =	vsort.dscd.msk.f32 $0xffff, v11, v11;
	v11 =	vperm.xlane v12, v0;
	v17, _, _ =	vpop (xrf1)  }
0x75: {  	v12, _, _ =	vpop (xrf1)  }
0x76: {  	v19 =	vmax.f32 v17, v11;
	v18 =	vmax.f32 v12, v6  }
0x77: {  	v15 =	vperm.xlane v15, v0;
	v6 =	vmin.f32 v12, v6;
	v12 =	vmin.f32 v19, v18  }
0x78: {  	v10 =	vperm.xlane v10, v0;
	(xrf1) =	vsort.dscd.msk.f32 $0xffff, v14, v14;
	v11 =	vmin.f32 v17, v11;
	v14, _, _ =	vpop (xrf1)  }
0x79: {  	v17 =	vmax.f32 v16, v15;
	v15 =	vmin.f32 v16, v15;
	v16 =	vmin.f32 v11, v6;
	v20, _, _ =	vpop (xrf1)  }
0x7a: {  	(xrf1) =	vsort.dscd.msk.f32 $0xffff, v12, v12;
	v12, _, _ =	vpop (xrf1)  }
0x7b: {  	v21 =	vmax.f32 v13, v10;
	v22, _, _ =	vpop (xrf1)  }
0x7c: {  	v23 =	vmax.f32 v17, v21;
	(xrf1) =	vsort.dscd.msk.f32 $0xffff, v16, v16;
	v12 =	vperm.xlane v12, v0;
	v16, _, _ =	vpop (xrf1)  }
0x7d: {  	v10 =	vmin.f32 v13, v10;
	v13 =	vmax.f32 v19, v18;
	(xrf1) =	vsort.dscd.msk.f32 $0xffff, v23, v23;
	v18, _, _ =	vpop (xrf1)  }
0x7e: {  	v19 =	vperm.xlane v20, v0;
	(xrf1) =	vsort.dscd.msk.f32 $0xffff, v13, v13;
	v13 =	vmax.f32 v18, v12  }
0x7f: {  	v20 =	vmin.f32 v15, v10;
	(xrf1) =	vsort.dscd.msk.f32 $0xffff, v13, v13  }
0x80: {  	v13 =	vmax.f32 v22, v19;
	(xrf1) =	vsort.dscd.msk.f32 $0xffff, v20, v20  }
0x81: {  	v12 =	vmin.f32 v18, v12;
	(xrf1) =	vsort.dscd.msk.f32 $0xffff, v13, v13  }
0x82: {  	v6 =	vmax.f32 v11, v6;
	v11, _, _ =	vpop (xrf1);
	(xrf1) =	vsort.dscd.msk.f32 $0xffff, v12, v12  }
0x83: {  	(xrf1) =	vsort.dscd.msk.f32 $0xffff, v6, v6;
	v6 =	vperm.xlane v11, v0;
	_ =	sdelay $0x1  }
0x84: {  	v11 =	vmin.f32 v16, v6  }
0x85: {  	s23 =	simm.s32 $0x600;
	v12, _, _ =	vpop (xrf1);
	(xrf1) =	vsort.dscd.msk.f32 $0xffff, v11, v11  }
0x86: {  	s29 =	simm.s32 $0xC0;
	s30 =	sand.u32 $0x7C00, s23;
	v13 =	vmin.f32 v22, v19;
	v11 =	vperm.xlane v12, v0  }
0x87: {  	s25 =	sadd.s32 s20, s30;
	s22 =	sand.u32 $0x40, s29;
	v6 =	vmax.f32 v16, v6;
	(xrf1) =	vsort.dscd.msk.f32 $0xffff, v13, v13  }
0x88: {  	s24 =	sadd.s32 s21, s30;
	s31 =	sor.u32 $0x30, s22;
	s0 =	sadd.s32 s22, s25;
	(xrf1) =	vsort.dscd.msk.f32 $0xffff, v6, v6;
	v6 =	vmax.f32 v14, v11  }
0x89: {  	s29 =	sadd.s32 s31, s24;
	v12, _, _ =	vpop (xrf1);
	v11 =	vmin.f32 v14, v11;
	v14 =	vld [tilespmem:s0+$0x0];
	(xrf1) =	vsort.dscd.msk.f32 $0xffff, v6, v6  }
0x8a: {  	s1 =	sor.u32 $0x20, s22;
	s26 =	sadd.s32 s31, s25;
	v13, _, _ =	vpop (xrf1);
	(xrf1) =	vsort.dscd.msk.f32 $0xffff, v11, v11;
	v11 =	vld [tilespmem:s29+$0x0]  }
0x8b: {  	s12 =	sadd.s32 s1, s24;
	v16 =	vld [tilespmem:s26+$0x0];
	v6, _, _ =	vpop (xrf1)  }
0x8c: {  	s30 =	sadd.s32 s22, s24;
	v19 =	vld [tilespmem:s12+$0x0];
	v18, _, _ =	vpop (xrf1)  }
0x8d: {  	s31 =	sadd.s32 s1, s25;
	v22 =	vld [tilespmem:s30+$0x0];
	v20, _, _ =	vpop (xrf1)  }
0x8e: {  	v15 =	vmax.f32 v15, v10;
	v10 =	vld [tilespmem:s31+$0x0];
	v23, _, _ =	vpop (xrf1);
	(xrf1) =	vsort.dscd.msk.f32 $0xffff, v14, v14  }
0x8f: {  	v24, _, _ =	vpop (xrf1);
	(xrf1) =	vsort.dscd.msk.f32 $0xffff, v11, v11  }
0x90: {  	s22 =	sor.u32 $0x10, s22;
	v17 =	vmin.f32 v17, v21;
	v12 =	vperm.xlane v12, v0;
	v11, _, _ =	vpop (xrf1);
	(xrf1) =	vsort.dscd.msk.f32 $0xffff, v16, v16  }
0x91: {  	s24 =	sadd.s32 s22, s24;
	v13 =	vperm.xlane v13, v0;
	v14 =	vperm.xlane v18, v0;
	v16, _, _ =	vpop (xrf1);
	(xrf1) =	vsort.dscd.msk.f32 $0xffff, v19, v19  }
0x92: {  	v9 =	vmax.f32 v9, v12;
	v12 =	vld [tilespmem:s24+$0x0];
	v16 =	vperm.xlane v16, v0;
	(xrf1) =	vsort.dscd.msk.f32 $0xffff, v22, v22  }
0x93: {  	v7 =	vmax.f32 v7, v13;
	v8 =	vmax.f32 v8, v14;
	v18, _, _ =	vpop (xrf1);
	(xrf1) =	vsort.dscd.msk.f32 $0xffff, v10, v10  }
0x94: {  	v11 =	vperm.xlane v11, v0;
	v5 =	vmax.f32 v5, v16;
	v10 =	vmin.f32 v7, v9  }
0x95: {  	s22 =	sadd.s32 s22, s25;
	v7 =	vmax.f32 v7, v9;
	v13 =	vmin.f32 v5, v8;
	v5 =	vmax.f32 v5, v8  }
0x96: {  	v9 =	vld [tilespmem:s22+$0x0];
	(xrf1) =	vsort.dscd.msk.f32 $0xffff, v17, v17;
	v16, _, _ =	vpop (xrf1);
	v8 =	vmax.f32 v10, v13;
	v21 =	vmin.f32 v10, v13  }
0x97: {  	v10 =	vmax.f32 v7, v5;
	(xrf1) =	vsort.dscd.msk.f32 $0xffff, v12, v12;
	v13 =	vperm.xlane v20, v0;
	v19, _, _ =	vpop (xrf1)  }
0x98: {  	v12 =	vmin.f32 v7, v5;
	v7 =	vperm.xlane v23, v0;
	(xrf1) =	vsort.dscd.msk.f32 $0xffff, v8, v8;
	v17, _, _ =	vpop (xrf1)  }
0x99: {  	v5 =	vperm.xlane v16, v0;
	(xrf1) =	vsort.dscd.msk.f32 $0xffff, v15, v15;
	v20, _, _ =	vpop (xrf1);
	v15 =	vmax.f32 v17, v11  }
0x9a: {  	(xrf1) =	vsort.dscd.msk.f32 $0xffff, v21, v21;
	v21 =	vperm.xlane v24, v0;
	v14 =	vmax.f32 v20, v13  }
0x9b: {  	v13 =	vmin.f32 v20, v13;
	(xrf1) =	vsort.dscd.msk.f32 $0xffff, v9, v9;
	v20 =	vmin.f32 v15, v14  }
0x9c: {  	v16 =	vmin.f32 v17, v11;
	v22 =	vmin.f32 v19, v5;
	v8, _, _ =	vpop (xrf1);
	(xrf1) =	vsort.dscd.msk.f32 $0xffff, v20, v20  }
0x9d: {  	v9 =	vmax.f32 v19, v5;
	v11 =	vmax.f32 v18, v21;
	v18 =	vmin.f32 v18, v21;
	v17, _, _ =	vpop (xrf1)  }
0x9e: {  	s24 =	simm.s32 $0x100;
	s22 =	sshll.u32 s18, $0x1;
	v20 =	vmin.f32 v16, v13;
	v5 =	vmax.f32 v22, v18;
	v18 =	vmin.f32 v22, v18;
	v19, _, _ =	vpop (xrf1)  }
.LBB2_4:
0x9f: {  	p0 =	sne.s32 s24, $0xFC0;
	v21, _, _ =	vpop (xrf1);
	v13 =	vmax.f32 v16, v13;
	v16 =	vmax.f32 v9, v11;
	(xrf1) =	vsort.dscd.msk.f32 $0xffff, v20, v20;
	s25 =	smov.u32 s24;
	s24 =	sadd.s32 $0x40, s24  }
0xa0: {  	v19 =	vperm.xlane v19, v0;
	v14 =	vmax.f32 v15, v14;
	v20, _, _ =	vpop (xrf1);
	(xrf1) =	vsort.dscd.msk.f32 $0xffff, v16, v16  }
0xa1: {  	v9 =	vmin.f32 v9, v11;
	v15, _, _ =	vpop (xrf1);
	(xrf1) =	vsort.dscd.msk.f32 $0xffff, v14, v14  }
0xa2: {  	v11 =	vmax.f32 v15, v19;
	(xrf1) =	vsort.dscd.msk.f32 $0xffff, v12, v12  }
0xa3: {  	v14 =	vperm.xlane v17, v0;
	v12 =	vmin.f32 v15, v19;
	(xrf1) =	vsort.dscd.msk.f32 $0xffff, v10, v10  }
0xa4: {  	v17 =	vperm.xlane v6, v0;
	(xrf1) =	vsort.dscd.msk.f32 $0xffff, v11, v11;
	v10, _, _ =	vpop (xrf1)  }
0xa5: {  	v16 =	vmax.f32 v21, v14;
	v14 =	vmin.f32 v21, v14;
	v15, _, _ =	vpop (xrf1);
	(xrf1) =	vsort.dscd.msk.f32 $0xffff, v18, v18  }
0xa6: {  	v10 =	vperm.xlane v10, v0;
	v18 =	vperm.xlane v15, v0;
	(xrf1) =	vsort.dscd.msk.f32 $0xffff, v16, v16;
	v11, _, _ =	vpop (xrf1)  }
0xa7: {  	v4 =	vmax.f32 v4, v7;
	v3 =	vmax.f32 v3, v17;
	(xrf1) =	vsort.dscd.msk.f32 $0xffff, v12, v12;
	v6, _, _ =	vpop (xrf1)  }
0xa8: {  	v7 =	vmin.f32 v20, v18;
	(xrf1) =	vsort.dscd.msk.f32 $0xffff, v13, v13;
	v6 =	vperm.xlane v6, v0;
	v12, _, _ =	vpop (xrf1)  }
0xa9: {  	s23 =	sadd.s32 $0x200, s23;
	v2 =	vmax.f32 v2, v10;
	v13 =	vmax.f32 v20, v18;
	v15, _, _ =	vpop (xrf1);
	(xrf1) =	vsort.dscd.msk.f32 $0xffff, v7, v7  }
0xaa: {  	s25 =	sand.u32 $0x40, s25;
	s26 =	sand.u32 $0x7C00, s23;
	v7 =	vperm.xlane v15, v0;
	(xrf1) =	vsort.dscd.msk.f32 $0xffff, v14, v14;
	v10, _, _ =	vpop (xrf1);
	v14 =	vmin.f32 v4, v2  }
0xab: {  	s28 =	sadd.s32 s20, s26;
	s29 =	sor.u32 $0x30, s25;
	s26 =	sadd.s32 s21, s26;
	v1 =	vmax.f32 v1, v6;
	(xrf1) =	vsort.dscd.msk.f32 $0xffff, v13, v13  }
0xac: {  	s30 =	sor.u32 $0x20, s25;
	s31 =	sadd.s32 s29, s28;
	s29 =	sadd.s32 s29, s26;
	v2 =	vmax.f32 v4, v2;
	v15 =	vmax.f32 v8, v7;
	v7 =	vmin.f32 v8, v7  }
0xad: {  	s1 =	sor.u32 $0x10, s25;
	s0 =	sadd.s32 s25, s28;
	s12 =	sadd.s32 s30, s28;
	v13 =	vmax.f32 v1, v3;
	v1 =	vmin.f32 v1, v3;
	v4 =	vld [tilespmem:s31+$0x0];
	(xrf1) =	vsort.dscd.msk.f32 $0xffff, v15, v15;
	v8, _, _ =	vpop (xrf1)  }
0xae: {  	v10 =	vperm.xlane v10, v0;
	v15 =	vmax.f32 v2, v13;
	v2 =	vmin.f32 v2, v13;
	v3 =	vld [tilespmem:s12+$0x0];
	s12 =	sadd.s32 s25, s26;
	s25 =	sadd.s32 s1, s26;
	s26 =	sadd.s32 s30, s26;
	v6, _, _ =	vpop (xrf1)  }
0xaf: {  	v16 =	vmax.f32 v14, v1;
	v1 =	vmin.f32 v14, v1;
	v13 =	vld [tilespmem:s0+$0x0];
	s0 =	sadd.s32 s1, s28;
	(xrf1) =	vsort.dscd.msk.f32 $0xffff, v7, v7;
	v7, _, _ =	vpop (xrf1)  }
0xb0: {  	v10 =	vmax.f32 v11, v10;
	v14 =	vld [tilespmem:s29+$0x0];
	v7 =	vperm.xlane v7, v0;
	v11, _, _ =	vpop (xrf1);
	(xrf1) =	vsort.dscd.msk.f32 $0xffff, v1, v1  }
0xb1: {  	v1 =	vld [tilespmem:s25+$0x0];
	v17, _, _ =	vpop (xrf1);
	(xrf1) =	vsort.dscd.msk.f32 $0xffff, v16, v16  }
0xb2: {  	v16 =	vld [tilespmem:s26+$0x0];
	v18, _, _ =	vpop (xrf1);
	(xrf1) =	vsort.dscd.msk.f32 $0xffff, v15, v15  }
0xb3: {  	v15 =	vld [tilespmem:s12+$0x0];
	v19, _, _ =	vpop (xrf1);
	(xrf1) =	vsort.dscd.msk.f32 $0xffff, v2, v2  }
0xb4: {  	v20 =	vld [tilespmem:s0+$0x0];
	(xrf1) =	vsort.dscd.msk.f32 $0xffff, v13, v13;
	v21, _, _ =	vpop (xrf1)  }
0xb5: {  	(xrf1) =	vsort.dscd.msk.f32 $0xffff, v14, v14;
	v2, _, _ =	vpop (xrf1)  }
0xb6: {  	(xrf1) =	vsort.dscd.msk.f32 $0xffff, v4, v4;
	v4, _, _ =	vpop (xrf1)  }
0xb7: {  	v8 =	vperm.xlane v8, v0;
	(xrf1) =	vsort.dscd.msk.f32 $0xffff, v16, v16;
	v22, _, _ =	vpop (xrf1);
	v4 =	vperm.xlane v4, v0  }
0xb8: {  	v7 =	vmax.f32 v12, v7;
	(xrf1) =	vsort.dscd.msk.f32 $0xffff, v15, v15;
	v16, _, _ =	vpop (xrf1)  }
0xb9: {  	(xrf1) =	vsort.dscd.msk.f32 $0xffff, v3, v3;
	v23, _, _ =	vpop (xrf1);
	v3 =	vmax.f32 v17, v8;
	v4 =	vmax.f32 v11, v4  }
0xba: {  	v8 =	vmax.f32 v3, v10;
	v3 =	vmin.f32 v3, v10;
	v10 =	vmin.f32 v4, v7  }
0xbb: {  	v4 =	vmax.f32 v4, v7;
	v11, _, _ =	vpop (xrf1);
	v13 =	vmax.f32 v3, v10;
	v17 =	vmin.f32 v3, v10  }
0xbc: {  	v24 =	vperm.xlane v2, v0;
	v10 =	vmax.f32 v8, v4;
	(xrf1) =	vsort.dscd.msk.f32 $0xffff, v9, v9  }
0xbd: {  	v12 =	vmin.f32 v8, v4;
	(xrf1) =	vsort.dscd.msk.f32 $0xffff, v1, v1;
	v1 =	vperm.xlane v18, v0;
	v2, _, _ =	vpop (xrf1)  }
0xbe: {  	v7 =	vperm.xlane v19, v0;
	(xrf1) =	vsort.dscd.msk.f32 $0xffff, v13, v13;
	v3, _, _ =	vpop (xrf1)  }
0xbf: {  	v14 =	vmax.f32 v2, v1;
	v13 =	vmin.f32 v2, v1;
	(xrf1) =	vsort.dscd.msk.f32 $0xffff, v5, v5;
	v2, _, _ =	vpop (xrf1)  }
.Ltmp0:
0xc0: {  	v15 =	vmax.f32 v11, v24;
	v5 =	vperm.xlane v16, v0;
	(xrf1) =	vsort.dscd.msk.f32 $0xffff, v17, v17;
	v4, _, _ =	vpop (xrf1);
	(pc) =	sbr.rel @p0 .LBB2_4-.Ltmp0, $4  }
0xc1: {  	v18 =	vperm.xlane v21, v0;
	v19 =	vmin.f32 v15, v14;
	(xrf1) =	vsort.dscd.msk.f32 $0xffff, v20, v20;
	v1, _, _ =	vpop (xrf1)  }
0xc2: {  	v16 =	vmin.f32 v11, v24;
	v9 =	vmax.f32 v23, v5;
	v8, _, _ =	vpop (xrf1);
	(xrf1) =	vsort.dscd.msk.f32 $0xffff, v19, v19  }
0xc3: {  	v11 =	vmax.f32 v22, v18;
	v18 =	vmin.f32 v22, v18;
	v21 =	vmin.f32 v23, v5;
	v17, _, _ =	vpop (xrf1)  }
0xc4: {  	v20 =	vmin.f32 v16, v13;
	v5 =	vmax.f32 v21, v18;
	v18 =	vmin.f32 v21, v18;
	v19, _, _ =	vpop (xrf1)  }
0xc5: {  	v21 =	vmax.f32 v9, v11;
	(xrf1) =	vsort.dscd.msk.f32 $0xffff, v20, v20  }
0xc6: {  	v24, _, _ =	vpop (xrf1);
	v14 =	vmax.f32 v15, v14;
	(xrf1) =	vsort.dscd.msk.f32 $0xffff, v21, v21  }
0xc7: {  	v25 =	vperm.xlane v19, v0;
	v26, _, _ =	vpop (xrf1);
	(xrf1) =	vsort.dscd.msk.f32 $0xffff, v14, v14  }
0xc8: {  	v27, _, _ =	vpop (xrf1);
	(xrf1) =	vsort.dscd.msk.f32 $0xffff, v12, v12  }
0xc9: {  	v17 =	vperm.xlane v17, v0;
	v28 =	vmax.f32 v27, v25;
	(xrf1) =	vsort.dscd.msk.f32 $0xffff, v10, v10  }
0xca: {  	v29, _, _ =	vpop (xrf1);
	(xrf1) =	vsort.dscd.msk.f32 $0xffff, v28, v28  }
0xcb: {  	v31 =	vmax.f32 v24, v17;
	v30, _, _ =	vpop (xrf1);
	(xrf1) =	vsort.dscd.msk.f32 $0xffff, v18, v18  }
0xcc: {  	v14 =	vmin.f32 v27, v25;
	v32, _, _ =	vpop (xrf1);
	(xrf1) =	vsort.dscd.msk.f32 $0xffff, v31, v31  }
0xcd: {  	v13 =	vmax.f32 v16, v13;
	v12 =	vperm.xlane v30, v0;
	v33, _, _ =	vpop (xrf1);
	(xrf1) =	vsort.dscd.msk.f32 $0xffff, v14, v14  }
0xce: {  	v34, _, _ =	vpop (xrf1);
	(xrf1) =	vsort.dscd.msk.f32 $0xffff, v13, v13  }
0xcf: {  	v35 =	vmin.f32 v26, v12;
	v36, _, _ =	vpop (xrf1)  }
0xd0: {  	v17 =	vmin.f32 v24, v17;
	(xrf1) =	vsort.dscd.msk.f32 $0xffff, v35, v35;
	v13 =	vperm.xlane v36, v0  }
0xd1: {  	v12 =	vmax.f32 v26, v12;
	(xrf1) =	vsort.dscd.msk.f32 $0xffff, v17, v17  }
0xd2: {  	v38, _, _ =	vpop (xrf1);
	(xrf1) =	vsort.dscd.msk.f32 $0xffff, v12, v12;
	v37 =	vmax.f32 v8, v13  }
0xd3: {  	v39 =	vmin.f32 v8, v13;
	(xrf1) =	vsort.dscd.msk.f32 $0xffff, v37, v37;
	v40, _, _ =	vpop (xrf1)  }
0xd4: {  	v10 =	vperm.xlane v29, v0;
	(xrf1) =	vsort.dscd.msk.f32 $0xffff, v39, v39;
	v41, _, _ =	vpop (xrf1)  }
0xd5: {  	v6 =	vperm.xlane v6, v0;
	v15 =	vperm.xlane v33, v0;
	v42, _, _ =	vpop (xrf1)  }
0xd6: {  	v4 =	vmax.f32 v4, v7;
	v54 =	vmin.f32 v9, v11;
	v2 =	vmax.f32 v2, v10;
	v43, _, _ =	vpop (xrf1)  }
0xd7: {  	v3 =	vmax.f32 v3, v6;
	v10 =	vmin.f32 v4, v2;
	v1 =	vmax.f32 v1, v15;
	v44, _, _ =	vpop (xrf1)  }
0xd8: {  	v2 =	vmax.f32 v4, v2;
	v46 =	vmin.f32 v1, v3;
	v1 =	vmax.f32 v1, v3;
	v45, _, _ =	vpop (xrf1)  }
0xd9: {  	v3 =	vperm.xlane v38, v0;
	v48 =	vmin.f32 v10, v46;
	v50 =	vmax.f32 v2, v1;
	v47, _, _ =	vpop (xrf1)  }
0xda: {  	v4 =	vmax.f32 v10, v46;
	v12 =	vperm.xlane v40, v0;
	(xrf1) =	vsort.dscd.msk.f32 $0xffff, v48, v48;
	v49, _, _ =	vpop (xrf1)  }
0xdb: {  	v1 =	vmin.f32 v2, v1;
	v2 =	vperm.xlane v42, v0;
	(xrf1) =	vsort.dscd.msk.f32 $0xffff, v4, v4;
	v51, _, _ =	vpop (xrf1)  }
0xdc: {  	v3 =	vmax.f32 v32, v3;
	(xrf1) =	vsort.dscd.msk.f32 $0xffff, v50, v50;
	v7 =	vmax.f32 v44, v12;
	v52, _, _ =	vpop (xrf1)  }
0xdd: {  	v2 =	vmax.f32 v34, v2;
	v12 =	vmin.f32 v7, v3;
	v4 =	vperm.xlane v52, v0  }
0xde: {  	v6 =	vperm.xlane v45, v0;
	v3 =	vmax.f32 v7, v3;
	v61 =	vperm.xlane v49, v0;
	v53, _, _ =	vpop (xrf1)  }
0xdf: {  	v10 =	vperm.xlane v51, v0;
	(xrf1) =	vsort.dscd.msk.f32 $0xffff, v1, v1;
	v1, _, _ =	vpop (xrf1);
	v4 =	vmax.f32 v43, v4  }
0xe0: {  	v20 =	vmax.f32 v53, v61;
	v55, _, _ =	vpop (xrf1);
	v1 =	vperm.xlane v1, v0;
	v14 =	vmin.f32 v4, v2  }
0xe1: {  	v2 =	vmax.f32 v4, v2;
	v56, _, _ =	vpop (xrf1);
	v57 =	vmax.f32 v12, v14;
	(xrf1) =	vsort.dscd.msk.f32 $0xffff, v54, v54  }
0xe2: {  	v12 =	vmin.f32 v12, v14;
	v58, _, _ =	vpop (xrf1);
	(xrf1) =	vsort.dscd.msk.f32 $0xffff, v57, v57;
	v60 =	vmax.f32 v56, v10  }
0xe3: {  	v10 =	vmin.f32 v56, v10;
	v59 =	vmax.f32 v58, v6;
	(xrf1) =	vsort.dscd.msk.f32 $0xffff, v5, v5  }
0xe4: {  	v6 =	vmin.f32 v58, v6;
	(xrf1) =	vsort.dscd.msk.f32 $0xffff, v12, v12;
	v62 =	vmin.f32 v60, v59  }
0xe5: {  	v63 =	vmax.f32 v55, v1;
	v21 =	vmin.f32 v10, v6;
	(xrf1) =	vsort.dscd.msk.f32 $0xffff, v62, v62  }
0xe6: {  	v24 =	vmax.f32 v3, v2;
	v22 =	vmax.f32 v63, v20;
	(xrf1) =	vsort.dscd.msk.f32 $0xffff, v21, v21  }
0xe7: {  	v2 =	vmin.f32 v3, v2;
	v23 =	vmax.f32 v60, v59;
	(xrf1) =	vsort.dscd.msk.f32 $0xffff, v22, v22  }
0xe8: {  	v1 =	vmin.f32 v55, v1;
	v3 =	vmin.f32 v53, v61;
	(xrf1) =	vsort.dscd.msk.f32 $0xffff, v23, v23  }
0xe9: {  	(xrf1) =	vsort.dscd.msk.f32 $0xffff, v2, v2;
	v2 =	vmin.f32 v1, v3  }
0xea: {  	(xrf1) =	vsort.dscd.msk.f32 $0xffff, v24, v24  }
0xeb: {  	v25, _, _ =	vpop (xrf1);
	v26 =	vmax.f32 v10, v6;
	(xrf1) =	vsort.dscd.msk.f32 $0xffff, v2, v2  }
0xec: {  	v2, _, _ =	vpop (xrf1);
	(xrf1) =	vsort.dscd.msk.f32 $0xffff, v26, v26  }
0xed: {  	v27, _, _ =	vpop (xrf1)  }
0xee: {  	v28, _, _ =	vpop (xrf1)  }
0xef: {  	v29, _, _ =	vpop (xrf1)  }
0xf0: {  	v30, _, _ =	vpop (xrf1)  }
0xf1: {  	v31, _, _ =	vpop (xrf1)  }
0xf2: {  	v32, _, _ =	vpop (xrf1)  }
0xf3: {  	v33, _, _ =	vpop (xrf1)  }
0xf4: {  	v34 =	vperm.xlane v47, v0;
	v7 =	vperm.xlane v29, v0;
	v35, _, _ =	vpop (xrf1)  }
0xf5: {  	v8 =	vperm.xlane v41, v0;
	v10 =	vperm.xlane v31, v0;
	v36, _, _ =	vpop (xrf1)  }
0xf6: {  	v12 =	vmin.f32 v63, v20;
	v5 =	vmax.f32 v27, v34;
	v2 =	vmax.f32 v2, v7;
	v37, _, _ =	vpop (xrf1)  }
0xf7: {  	v4 =	vmax.f32 v25, v8;
	v38 =	vmin.f32 v5, v2;
	v6 =	vmax.f32 v28, v10;
	v39, _, _ =	vpop (xrf1)  }
0xf8: {  	v2 =	vmax.f32 v5, v2;
	v13 =	vperm.xlane v33, v0;
	v40 =	vmax.f32 v6, v4;
	v41, _, _ =	vpop (xrf1)  }
0xf9: {  	v4 =	vmin.f32 v6, v4;
	v46 =	vperm.xlane v35, v0;
	v42 =	vmax.f32 v2, v40;
	v44, _, _ =	vpop (xrf1)  }
0xfa: {  	v43 =	vmin.f32 v38, v4;
	v4 =	vmax.f32 v38, v4;
	v7 =	vperm.xlane v37, v0;
	v45, _, _ =	vpop (xrf1)  }
0xfb: {  	v2 =	vmin.f32 v2, v40;
	(xrf1) =	vsort.dscd.msk.f32 $0xffff, v43, v43;
	v8 =	vperm.xlane v45, v0  }
0xfc: {  	v47 =	vmax.f32 v30, v13;
	v7 =	vmax.f32 v32, v7;
	(xrf1) =	vsort.dscd.msk.f32 $0xffff, v4, v4  }
0xfd: {  	v4 =	vmax.f32 v41, v46;
	(xrf1) =	vsort.dscd.msk.f32 $0xffff, v42, v42;
	v48 =	vmax.f32 v39, v8  }
0xfe: {  	(xrf1) =	vsort.dscd.msk.f32 $0xffff, v2, v2;
	v2 =	vmin.f32 v4, v47;
	v8 =	vmin.f32 v48, v7  }
0xff: {  	(xrf1) =	vsort.dscd.msk.f32 $0xffff, v12, v12;
	v49 =	vmax.f32 v2, v8  }
0x100: {  	v1 =	vmax.f32 v1, v3;
	(xrf1) =	vsort.dscd.msk.f32 $0xffff, v49, v49  }
0x101: {  	(xrf1) =	vsort.dscd.msk.f32 $0xffff, v1, v1;
	_ =	sdelay $0x7  }
0x102: {  	v1, _, _ =	vpop (xrf1)  }
0x103: {  	v3, _, _ =	vpop (xrf1)  }
0x104: {  	v50, _, _ =	vpop (xrf1)  }
0x105: {  	v51, _, _ =	vpop (xrf1)  }
0x106: {  	v52, _, _ =	vpop (xrf1)  }
0x107: {  	v56 =	vperm.xlane v36, v0;
	v55 =	vperm.xlane v44, v0;
	v54, _, _ =	vpop (xrf1)  }
0x108: {  	v4 =	vmax.f32 v4, v47;
	v53 =	vmax.f32 v48, v7;
	v2 =	vmin.f32 v2, v8;
	v57, _, _ =	vpop (xrf1)  }
0x109: {  	(xrf1) =	vsort.dscd.msk.f32 $0xffff, v2, v2;
	v2 =	vperm.xlane v52, v0;
	v58 =	vperm.xlane v57, v0  }
0x10a: {  	v7 =	vmin.f32 v4, v53;
	v4 =	vmax.f32 v4, v53;
	v1 =	vmax.f32 v1, v56  }
0x10b: {  	v59 =	vmax.f32 v50, v55;
	v2 =	vmax.f32 v3, v2;
	v3 =	vmax.f32 v51, v58  }
0x10c: {  	(xrf1) =	vsort.dscd.msk.f32 $0xffff, v7, v7;
	v60 =	vmin.f32 v59, v2;
	v61 =	vmin.f32 v3, v1  }
0x10d: {  	(xrf1) =	vsort.dscd.msk.f32 $0xffff, v4, v4;
	v2 =	vmax.f32 v59, v2;
	v62 =	vmin.f32 v60, v61  }
0x10e: {  	v1 =	vmax.f32 v3, v1;
	v3 =	vmax.f32 v60, v61;
	(xrf1) =	vsort.dscd.msk.f32 $0xffff, v62, v62  }
0x10f: {  	v63 =	vmax.f32 v2, v1;
	(xrf1) =	vsort.dscd.msk.f32 $0xffff, v3, v3  }
0x110: {  	v1 =	vmin.f32 v2, v1;
	(xrf1) =	vsort.dscd.msk.f32 $0xffff, v63, v63  }
0x111: {  	(xrf1) =	vsort.dscd.msk.f32 $0xffff, v1, v1;
	_ =	sdelay $0x4  }
0x112: {  	s0 =	sadd.s32 s17, s22  }
0x113: {  	s0 =	sshll.u32 s0, $0x7  }
0x114: {  	s0 =	sand.u32 $0x3FFFFF80, s0  }
0x115: {  	[tilespmem:s0+$0x10020] =	vst v54;
	v1, _, _ =	vpop (xrf1)  }
0x116: {  	s1 =	sadd.s32 s17, s19;
	s18 =	sadd.s32 $0x1, s18;
	v2, _, _ =	vpop (xrf1);
	[tilespmem:s0+$0x10030] =	vst v1  }
0x117: {  	s1 =	sshll.u32 s1, $0x7;
	p0 =	sne.s32 s18, $0x4;
	v3, _, _ =	vpop (xrf1);
	[tilespmem:s0+$0x10010] =	vst v2  }
.Ltmp1:
0x118: {  	s31 =	sand.u32 $0x3FFFFF80, s1;
	[tilespmem:s0+$0x10000] =	vst v3;
	v3, _, _ =	vpop (xrf1);
	(pc) =	sbr.rel @p0 .LBB2_3-.Ltmp1, $4  }
0x119: {  	v2, _, _ =	vpop (xrf1);
	[tilespmem:s31+$0x10030] =	vst v3  }
0x11a: {  	v4, _, _ =	vpop (xrf1);
	[tilespmem:s31+$0x10020] =	vst v2  }
0x11b: {  	v1, _, _ =	vpop (xrf1);
	[tilespmem:s31+$0x10000] =	vst v4  }
0x11c: {  	[tilespmem:s31+$0x10010] =	vst v1  }
0x11d: {  	p0 =	seq.s32 s15, $0x7  }
0x11e: {  	_ =	swait.ge [sflag:s11], $0x8000;
	s0 =	sadd.s32 @!p0 s17, s6  }
0x11f: {  	[sflag:s11] =	ssyncset.done $0x0;
	s1 =	simm.s32 @!p0 $0x0;
	s0 =	sshll.u32 @!p0 s0, $0x9  }
0x120: {  	s17 =	simm.s32 $0x0;
	[sflag:s11] =	ssyncadd.s32 $0xFFFF8000;
	s0 =	sadd.s32 @!p0 s3, s0  }
0x121: {  	[tilespmem:s1], [sflag:$0x1] =	stream.linear.gather @!p0 [hbm4b:s0+s1], $0x8000, $0x38;
	[tilespmem:$0x14000] =	vst v63  }
.LBB2_7:
0x122: {  	s19 =	sshll.u32 s17, $0x8  }
0x123: {  	v1 =	vld [tilespmem:s19+$0x8000]  }
0x124: {  	v2 =	vld [tilespmem:s19+$0x8010]  }
0x125: {  	v3 =	vld [tilespmem:s19+$0x8020]  }
0x126: {  	v4 =	vld [tilespmem:s19+$0x8030];
	_ =	sdelay $0x1  }
0x127: {  	(xrf1) =	vsort.dscd.msk.f32 $0xffff, v1, v1  }
0x128: {  	(xrf1) =	vsort.dscd.msk.f32 $0xffff, v2, v2  }
0x129: {  	(xrf1) =	vsort.dscd.msk.f32 $0xffff, v3, v3  }
0x12a: {  	(xrf1) =	vsort.dscd.msk.f32 $0xffff, v4, v4;
	_ =	sdelay $0xa  }
0x12b: {  	v1, _, _ =	vpop (xrf1)  }
0x12c: {  	v2, _, _ =	vpop (xrf1)  }
0x12d: {  	v3, _, _ =	vpop (xrf1);
	v2 =	vperm.xlane v2, v0  }
0x12e: {  	v4, _, _ =	vpop (xrf1)  }
0x12f: {  	v5 =	vmax.f32 v1, v2;
	v4 =	vperm.xlane v4, v0  }
0x130: {  	v1 =	vmin.f32 v1, v2;
	(xrf1) =	vsort.dscd.msk.f32 $0xffff, v5, v5  }
0x131: {  	(xrf1) =	vsort.dscd.msk.f32 $0xffff, v1, v1;
	v1 =	vmax.f32 v3, v4  }
0x132: {  	(xrf1) =	vsort.dscd.msk.f32 $0xffff, v1, v1;
	v1 =	vmin.f32 v3, v4  }
0x133: {  	(xrf1) =	vsort.dscd.msk.f32 $0xffff, v1, v1;
	_ =	sdelay $0xa  }
0x134: {  	v1, _, _ =	vpop (xrf1)  }
0x135: {  	v2, _, _ =	vpop (xrf1)  }
0x136: {  	v3, _, _ =	vpop (xrf1)  }
0x137: {  	v4, _, _ =	vpop (xrf1)  }
0x138: {  	v3 =	vperm.xlane v3, v0;
	v4 =	vperm.xlane v4, v0  }
0x139: {  	s18 =	sshllo.u32 s17, $0x1  }
0x13a: {  	s20 =	sshll.u32 s18, $0x7;
	v6 =	vmax.f32 v2, v3;
	v5 =	vmax.f32 v1, v4  }
0x13b: {  	v7 =	vld [tilespmem:s20+$0x8000];
	v1 =	vmin.f32 v1, v4;
	v4 =	vmax.f32 v5, v6  }
0x13c: {  	v2 =	vmin.f32 v2, v3;
	v3 =	vmin.f32 v5, v6;
	(xrf1) =	vsort.dscd.msk.f32 $0xffff, v4, v4;
	v4 =	vld [tilespmem:s20+$0x8010]  }
0x13d: {  	v5 =	vld [tilespmem:s20+$0x8020];
	(xrf1) =	vsort.dscd.msk.f32 $0xffff, v3, v3;
	v3 =	vmax.f32 v1, v2  }
0x13e: {  	v1 =	vmin.f32 v1, v2;
	v2 =	vld [tilespmem:s20+$0x8030];
	(xrf1) =	vsort.dscd.msk.f32 $0xffff, v3, v3  }
0x13f: {  	(xrf1) =	vsort.dscd.msk.f32 $0xffff, v1, v1  }
0x140: {  	(xrf1) =	vsort.dscd.msk.f32 $0xffff, v7, v7  }
0x141: {  	(xrf1) =	vsort.dscd.msk.f32 $0xffff, v4, v4  }
0x142: {  	(xrf1) =	vsort.dscd.msk.f32 $0xffff, v5, v5  }
0x143: {  	(xrf1) =	vsort.dscd.msk.f32 $0xffff, v2, v2;
	_ =	sdelay $0x6  }
0x144: {  	v2, _, _ =	vpop (xrf1)  }
0x145: {  	v3, _, _ =	vpop (xrf1)  }
0x146: {  	v1, _, _ =	vpop (xrf1)  }
0x147: {  	v4, _, _ =	vpop (xrf1)  }
0x148: {  	v5, _, _ =	vpop (xrf1)  }
0x149: {  	v6, _, _ =	vpop (xrf1)  }
0x14a: {  	v7, _, _ =	vpop (xrf1);
	v6 =	vperm.xlane v6, v0  }
0x14b: {  	v8, _, _ =	vpop (xrf1)  }
0x14c: {  	v9 =	vmax.f32 v5, v6;
	v8 =	vperm.xlane v8, v0  }
0x14d: {  	v5 =	vmin.f32 v5, v6;
	(xrf1) =	vsort.dscd.msk.f32 $0xffff, v9, v9  }
0x14e: {  	(xrf1) =	vsort.dscd.msk.f32 $0xffff, v5, v5;
	v5 =	vmax.f32 v7, v8  }
0x14f: {  	(xrf1) =	vsort.dscd.msk.f32 $0xffff, v5, v5;
	v5 =	vmin.f32 v7, v8  }
0x150: {  	(xrf1) =	vsort.dscd.msk.f32 $0xffff, v5, v5;
	_ =	sdelay $0xa  }
0x151: {  	v5, _, _ =	vpop (xrf1)  }
0x152: {  	v6, _, _ =	vpop (xrf1)  }
0x153: {  	s0 =	simm.s32 $0x200;
	v7, _, _ =	vpop (xrf1)  }
0x154: {  	s1 =	simm.s32 $0x40;
	s0 =	sand.u32 $0x7C00, s0;
	v8, _, _ =	vpop (xrf1)  }
0x155: {  	s1 =	sand.u32 $0x40, s1;
	s0 =	sor.u32 $0x8000, s0;
	v7 =	vperm.xlane v7, v0;
	v8 =	vperm.xlane v8, v0  }
0x156: {  	s12 =	sor.u32 $0x10, s1;
	s21 =	sadd.s32 s20, s0  }
0x157: {  	s22 =	sor.u32 $0x30, s1;
	s23 =	sadd.s32 s12, s21;
	v10 =	vmax.f32 v6, v7;
	v9 =	vmax.f32 v5, v8  }
0x158: {  	s24 =	sadd.s32 s22, s21;
	v11 =	vld [tilespmem:s23+$0x0];
	v5 =	vmin.f32 v5, v8;
	v8 =	vmax.f32 v9, v10  }
0x159: {  	s29 =	sor.u32 $0x20, s1;
	v6 =	vmin.f32 v6, v7;
	v7 =	vmin.f32 v9, v10;
	(xrf1) =	vsort.dscd.msk.f32 $0xffff, v8, v8;
	v8 =	vld [tilespmem:s24+$0x0]  }
0x15a: {  	s30 =	sadd.s32 s29, s21;
	(xrf1) =	vsort.dscd.msk.f32 $0xffff, v7, v7;
	v7 =	vmax.f32 v5, v6  }
0x15b: {  	v5 =	vmin.f32 v5, v6;
	v6 =	vld [tilespmem:s30+$0x0];
	(xrf1) =	vsort.dscd.msk.f32 $0xffff, v7, v7  }
0x15c: {  	s0 =	sadd.s32 s19, s0;
	(xrf1) =	vsort.dscd.msk.f32 $0xffff, v5, v5  }
0x15d: {  	s12 =	sadd.s32 s12, s0;
	(xrf1) =	vsort.dscd.msk.f32 $0xffff, v11, v11  }
0x15e: {  	s22 =	sadd.s32 s22, s0;
	v5 =	vld [tilespmem:s12+$0x0];
	(xrf1) =	vsort.dscd.msk.f32 $0xffff, v8, v8  }
0x15f: {  	s31 =	sadd.s32 s1, s21;
	v7 =	vld [tilespmem:s22+$0x0]  }
0x160: {  	s1 =	sadd.s32 s1, s0;
	v8 =	vld [tilespmem:s31+$0x0];
	(xrf1) =	vsort.dscd.msk.f32 $0xffff, v6, v6  }
0x161: {  	v9 =	vld [tilespmem:s1+$0x0];
	_ =	sdelay $0x1  }
0x162: {  	(xrf1) =	vsort.dscd.msk.f32 $0xffff, v5, v5  }
0x163: {  	(xrf1) =	vsort.dscd.msk.f32 $0xffff, v7, v7  }
0x164: {  	(xrf1) =	vsort.dscd.msk.f32 $0xffff, v8, v8  }
0x165: {  	(xrf1) =	vsort.dscd.msk.f32 $0xffff, v9, v9  }
0x166: {  	v8, _, _ =	vpop (xrf1)  }
0x167: {  	s12 =	simm.s32 $0x400;
	v5, _, _ =	vpop (xrf1)  }
0x168: {  	s21 =	simm.s32 $0x80;
	s0 =	sadd.s32 s29, s0;
	s1 =	sand.u32 $0x7C00, s12;
	v7, _, _ =	vpop (xrf1)  }
0x169: {  	s12 =	sand.u32 $0x40, s21;
	s1 =	sor.u32 $0x8000, s1;
	v9 =	vld [tilespmem:s0+$0x0];
	v6, _, _ =	vpop (xrf1)  }
0x16a: {  	s22 =	sor.u32 $0x10, s12;
	s24 =	sadd.s32 s20, s1;
	v10, _, _ =	vpop (xrf1)  }
0x16b: {  	s26 =	sor.u32 $0x30, s12;
	s28 =	sadd.s32 s22, s24;
	v11, _, _ =	vpop (xrf1)  }
0x16c: {  	s29 =	sor.u32 $0x20, s12;
	s25 =	sadd.s32 s26, s24;
	v12 =	vld [tilespmem:s28+$0x0];
	v11 =	vperm.xlane v11, v0  }
0x16d: {  	s30 =	sadd.s32 s29, s24;
	v13 =	vld [tilespmem:s25+$0x0];
	v14, _, _ =	vpop (xrf1)  }
0x16e: {  	v15 =	vld [tilespmem:s30+$0x0];
	(xrf1) =	vsort.dscd.msk.f32 $0xffff, v9, v9;
	v9 =	vmin.f32 v14, v11;
	_ =	sdelay $0x1  }
0x16f: {  	v16, _, _ =	vpop (xrf1);
	(xrf1) =	vsort.dscd.msk.f32 $0xffff, v9, v9  }
0x170: {  	s1 =	sadd.s32 s19, s1;
	v10 =	vperm.xlane v10, v0;
	v9, _, _ =	vpop (xrf1);
	(xrf1) =	vsort.dscd.msk.f32 $0xffff, v12, v12  }
0x171: {  	s0 =	sadd.s32 s22, s1;
	v12 =	vperm.xlane v16, v0;
	v16, _, _ =	vpop (xrf1);
	(xrf1) =	vsort.dscd.msk.f32 $0xffff, v13, v13  }
0x172: {  	s22 =	sadd.s32 s26, s1;
	v13 =	vld [tilespmem:s0+$0x0];
	v17, _, _ =	vpop (xrf1);
	(xrf1) =	vsort.dscd.msk.f32 $0xffff, v15, v15;
	v15 =	vmax.f32 v16, v10  }
0x173: {  	v19 =	vld [tilespmem:s22+$0x0];
	v18 =	vmax.f32 v17, v12;
	(xrf1) =	vsort.dscd.msk.f32 $0xffff, v15, v15  }
0x174: {  	v12 =	vmin.f32 v17, v12;
	(xrf1) =	vsort.dscd.msk.f32 $0xffff, v18, v18  }
0x175: {  	v10 =	vmin.f32 v16, v10;
	(xrf1) =	vsort.dscd.msk.f32 $0xffff, v12, v12  }
0x176: {  	(xrf1) =	vsort.dscd.msk.f32 $0xffff, v10, v10  }
0x177: {  	(xrf1) =	vsort.dscd.msk.f32 $0xffff, v13, v13  }
0x178: {  	s31 =	sadd.s32 s12, s24;
	v10 =	vmax.f32 v14, v11;
	(xrf1) =	vsort.dscd.msk.f32 $0xffff, v19, v19  }
0x179: {  	v11 =	vld [tilespmem:s31+$0x0];
	(xrf1) =	vsort.dscd.msk.f32 $0xffff, v10, v10  }
0x17a: {  	v9 =	vperm.xlane v9, v0  }
0x17b: {  	s12 =	sadd.s32 s12, s1;
	v12, _, _ =	vpop (xrf1)  }
0x17c: {  	v14 =	vmax.f32 v12, v9;
	v10 =	vld [tilespmem:s12+$0x0]  }
0x17d: {  	v13, _, _ =	vpop (xrf1)  }
0x17e: {  	(xrf1) =	vsort.dscd.msk.f32 $0xffff, v11, v11;
	v11, _, _ =	vpop (xrf1)  }
0x17f: {  	(xrf1) =	vsort.dscd.msk.f32 $0xffff, v14, v14;
	v14, _, _ =	vpop (xrf1)  }
0x180: {  	v15, _, _ =	vpop (xrf1)  }
0x181: {  	s21 =	simm.s32 $0x600;
	(xrf1) =	vsort.dscd.msk.f32 $0xffff, v10, v10;
	v10, _, _ =	vpop (xrf1)  }
0x182: {  	s1 =	sadd.s32 s29, s1;
	s22 =	simm.s32 $0xC0;
	s0 =	sand.u32 $0x7C00, s21;
	v16, _, _ =	vpop (xrf1)  }
0x183: {  	s21 =	sand.u32 $0x40, s22;
	s0 =	sor.u32 $0x8000, s0;
	v17 =	vld [tilespmem:s1+$0x0];
	v18, _, _ =	vpop (xrf1)  }
0x184: {  	s23 =	sor.u32 $0x10, s21;
	s12 =	sadd.s32 s20, s0;
	v19, _, _ =	vpop (xrf1)  }
0x185: {  	s26 =	sadd.s32 s23, s12;
	v20, _, _ =	vpop (xrf1)  }
0x186: {  	v22 =	vld [tilespmem:s26+$0x0];
	v21, _, _ =	vpop (xrf1)  }
0x187: {  	s28 =	sor.u32 $0x30, s21;
	v9 =	vmin.f32 v12, v9;
	v14 =	vperm.xlane v14, v0;
	v12, _, _ =	vpop (xrf1)  }
0x188: {  	s29 =	sor.u32 $0x20, s21;
	s30 =	sadd.s32 s28, s12;
	v13 =	vperm.xlane v13, v0;
	(xrf1) =	vsort.dscd.msk.f32 $0xffff, v17, v17;
	v12 =	vperm.xlane v12, v0  }
0x189: {  	s31 =	sadd.s32 s29, s12;
	v17 =	vld [tilespmem:s30+$0x0];
	(xrf1) =	vsort.dscd.msk.f32 $0xffff, v9, v9;
	v23 =	vmin.f32 v15, v14  }
0x18a: {  	v9 =	vld [tilespmem:s31+$0x0];
	(xrf1) =	vsort.dscd.msk.f32 $0xffff, v23, v23;
	v23 =	vmax.f32 v10, v13;
	v24 =	vmax.f32 v19, v12  }
0x18b: {  	(xrf1) =	vsort.dscd.msk.f32 $0xffff, v22, v22;
	v22 =	vmax.f32 v23, v24;
	_ =	sdelay $0x1  }
0x18c: {  	s0 =	sadd.s32 s19, s0;
	v11 =	vperm.xlane v11, v0;
	v25, _, _ =	vpop (xrf1);
	(xrf1) =	vsort.dscd.msk.f32 $0xffff, v22, v22  }
0x18d: {  	s1 =	sadd.s32 s23, s0;
	v20 =	vperm.xlane v20, v0;
	(xrf1) =	vsort.dscd.msk.f32 $0xffff, v17, v17;
	v22, _, _ =	vpop (xrf1)  }
0x18e: {  	s23 =	sadd.s32 s28, s0;
	v17 =	vld [tilespmem:s1+$0x0];
	(xrf1) =	vsort.dscd.msk.f32 $0xffff, v9, v9;
	v9 =	vmax.f32 v25, v11;
	v26, _, _ =	vpop (xrf1)  }
0x18f: {  	v28 =	vld [tilespmem:s23+$0x0];
	(xrf1) =	vsort.dscd.msk.f32 $0xffff, v9, v9;
	v27 =	vmax.f32 v26, v20  }
0x190: {  	v9 =	vmin.f32 v26, v20;
	(xrf1) =	vsort.dscd.msk.f32 $0xffff, v27, v27  }
0x191: {  	s23 =	sadd.s32 s21, s12;
	v11 =	vmin.f32 v25, v11;
	(xrf1) =	vsort.dscd.msk.f32 $0xffff, v9, v9  }
0x192: {  	v9 =	vld [tilespmem:s23+$0x0];
	(xrf1) =	vsort.dscd.msk.f32 $0xffff, v11, v11  }
0x193: {  	v11 =	vmin.f32 v23, v24;
	(xrf1) =	vsort.dscd.msk.f32 $0xffff, v17, v17  }
0x194: {  	(xrf1) =	vsort.dscd.msk.f32 $0xffff, v28, v28  }
0x195: {  	v14 =	vmax.f32 v15, v14;
	(xrf1) =	vsort.dscd.msk.f32 $0xffff, v11, v11  }
0x196: {  	v17 =	vperm.xlane v21, v0;
	v11, _, _ =	vpop (xrf1);
	(xrf1) =	vsort.dscd.msk.f32 $0xffff, v14, v14  }
0x197: {  	v10 =	vmin.f32 v10, v13;
	v13, _, _ =	vpop (xrf1);
	(xrf1) =	vsort.dscd.msk.f32 $0xffff, v9, v9;
	v9 =	vmin.f32 v19, v12  }
0x198: {  	s24 =	sadd.s32 s21, s0;
	v14 =	vmax.f32 v11, v17;
	v15, _, _ =	vpop (xrf1);
	v12 =	vmax.f32 v10, v9;
	v9 =	vmin.f32 v10, v9  }
0x199: {  	s0 =	sadd.s32 s29, s0;
	(xrf1) =	vsort.dscd.msk.f32 $0xffff, v14, v14;
	v14 =	vld [tilespmem:s24+$0x0];
	v19, _, _ =	vpop (xrf1)  }
0x19a: {  	v10 =	vld [tilespmem:s0+$0x0];
	(xrf1) =	vsort.dscd.msk.f32 $0xffff, v12, v12;
	v20, _, _ =	vpop (xrf1)  }
0x19b: {  	(xrf1) =	vsort.dscd.msk.f32 $0xffff, v9, v9;
	v9, _, _ =	vpop (xrf1)  }
0x19c: {  	v21 =	vperm.xlane v22, v0;
	v13 =	vperm.xlane v13, v0;
	v22, _, _ =	vpop (xrf1)  }
0x19d: {  	v23, _, _ =	vpop (xrf1)  }
0x19e: {  	v52 =	vmax.f32 v18, v21;
	v53 =	vmax.f32 v16, v13;
	(xrf1) =	vsort.dscd.msk.f32 $0xffff, v14, v14;
	v54, _, _ =	vpop (xrf1)  }
0x19f: {  	v12, _, _ =	vpop (xrf1);
	(xrf1) =	vsort.dscd.msk.f32 $0xffff, v10, v10;
	v10 =	vmax.f32 v53, v52  }
0x1a0: {  	s25 =	simm.s32 $0x800  }
0x1a1: {  	s26 =	simm.s32 $0x100;
	v11 =	vmin.f32 v11, v17;
	s0 =	sand.u32 $0x7C00, s25;
	v55, _, _ =	vpop (xrf1);
	(xrf1) =	vsort.dscd.msk.f32 $0xffff, v10, v10  }
0x1a2: {  	s22 =	sand.u32 $0x40, s26;
	s0 =	sor.u32 $0x8000, s0;
	v10, _, _ =	vpop (xrf1);
	(xrf1) =	vsort.dscd.msk.f32 $0xffff, v11, v11;
	v11 =	vmin.f32 v16, v13;
	v13 =	vmin.f32 v18, v21  }
0x1a3: {  	s1 =	sor.u32 $0x10, s22;
	s12 =	sadd.s32 s20, s0;
	v14, _, _ =	vpop (xrf1);
	v17 =	vmin.f32 v11, v13;
	v11 =	vmax.f32 v11, v13  }
0x1a4: {  	v15 =	vperm.xlane v15, v0;
	s28 =	sadd.s32 s1, s12;
	v18, _, _ =	vpop (xrf1)  }
0x1a5: {  	s29 =	sor.u32 $0x30, s22;
	v19 =	vperm.xlane v19, v0;
	v9 =	vperm.xlane v9, v0;
	v21 =	vld [tilespmem:s28+$0x0];
	v13, _, _ =	vpop (xrf1);
	(xrf1) =	vsort.dscd.msk.f32 $0xffff, v11, v11  }
0x1a6: {  	s21 =	sor.u32 $0x20, s22;
	s30 =	sadd.s32 s29, s12;
	v30 =	vmax.f32 v23, v15;
	v56 =	vperm.xlane v14, v0;
	v11, _, _ =	vpop (xrf1);
	(xrf1) =	vsort.dscd.msk.f32 $0xffff, v17, v17  }
0x1a7: {  	s31 =	sadd.s32 s21, s12;
	v14 =	vld [tilespmem:s30+$0x0];
	v13 =	vperm.xlane v13, v0;
	v17 =	vmax.f32 v22, v9;
	v9 =	vmin.f32 v22, v9  }
0x1a8: {  	v57 =	vld [tilespmem:s31+$0x0];
	v16 =	vmin.f32 v53, v52;
	v18 =	vperm.xlane v18, v0;
	v22, _, _ =	vpop (xrf1);
	(xrf1) =	vsort.dscd.msk.f32 $0xffff, v9, v9  }
0x1a9: {  	v58 =	vperm.xlane v22, v0;
	v22 =	vmax.f32 v55, v13;
	v29, _, _ =	vpop (xrf1);
	(xrf1) =	vsort.dscd.msk.f32 $0xffff, v16, v16  }
0x1aa: {  	v10 =	vperm.xlane v10, v0;
	v9, _, _ =	vpop (xrf1);
	(xrf1) =	vsort.dscd.msk.f32 $0xffff, v21, v21;
	v21 =	vmax.f32 v30, v22  }
0x1ab: {  	v59 =	vmax.f32 v7, v18;
	v16 =	vperm.xlane v9, v0;
	(xrf1) =	vsort.dscd.msk.f32 $0xffff, v21, v21  }
0x1ac: {  	s26 =	sadd.s32 s19, s0;
	v7 =	vmax.f32 v11, v19;
	v9 =	vmax.f32 v12, v58;
	(xrf1) =	vsort.dscd.msk.f32 $0xffff, v14, v14  }
0x1ad: {  	s0 =	sadd.s32 s1, s26;
	v21 =	vmin.f32 v30, v22;
	v14, _, _ =	vpop (xrf1);
	v22 =	vmax.f32 v8, v16;
	(xrf1) =	vsort.dscd.msk.f32 $0xffff, v57, v57  }
0x1ae: {  	s28 =	sadd.s32 s29, s26;
	v8 =	vld [tilespmem:s0+$0x0];
	v16 =	vmax.f32 v14, v10;
	v10 =	vmin.f32 v14, v10;
	v60, _, _ =	vpop (xrf1);
	(xrf1) =	vsort.dscd.msk.f32 $0xffff, v7, v7  }
0x1af: {  	v18 =	vld [tilespmem:s28+$0x0];
	v7 =	vmin.f32 v11, v19;
	v11 =	vperm.xlane v29, v0;
	v14, _, _ =	vpop (xrf1);
	(xrf1) =	vsort.dscd.msk.f32 $0xffff, v16, v16  }
0x1b0: {  	v19 =	vmin.f32 v23, v15;
	v31 =	vmax.f32 v22, v59;
	v15, _, _ =	vpop (xrf1);
	(xrf1) =	vsort.dscd.msk.f32 $0xffff, v10, v10  }
0x1b1: {  	s29 =	sadd.s32 s22, s12;
	v16 =	vperm.xlane v20, v0;
	v20 =	vmax.f32 v60, v56;
	v15 =	vperm.xlane v15, v0  }
0x1b2: {  	v23 =	vperm.xlane v14, v0;
	v5 =	vmax.f32 v5, v11;
	v10 =	vld [tilespmem:s29+$0x0];
	(xrf1) =	vsort.dscd.msk.f32 $0xffff, v7, v7  }
0x1b3: {  	v61 =	vmax.f32 v6, v16;
	(xrf1) =	vsort.dscd.msk.f32 $0xffff, v8, v8;
	v14 =	vmax.f32 v54, v15;
	v6, _, _ =	vpop (xrf1)  }
0x1b4: {  	(xrf1) =	vsort.dscd.msk.f32 $0xffff, v18, v18;
	v7 =	vmin.f32 v54, v15;
	v8 =	vperm.xlane v6, v0;
	v6, _, _ =	vpop (xrf1)  }
0x1b5: {  	v18 =	vmax.f32 v4, v23;
	(xrf1) =	vsort.dscd.msk.f32 $0xffff, v21, v21;
	v11 =	vperm.xlane v6, v0  }
0x1b6: {  	s30 =	sadd.s32 s22, s26;
	v23 =	vmin.f32 v22, v59;
	v21 =	vmax.f32 v5, v61;
	(xrf1) =	vsort.dscd.msk.f32 $0xffff, v17, v17;
	v6, _, _ =	vpop (xrf1)  }
0x1b7: {  	v15 =	vmax.f32 v31, v21;
	(xrf1) =	vsort.dscd.msk.f32 $0xffff, v10, v10;
	v10 =	vld [tilespmem:s30+$0x0];
	v16 =	vmax.f32 v2, v11;
	v2, _, _ =	vpop (xrf1)  }
0x1b8: {  	v17 =	vmax.f32 v3, v8;
	v3 =	vmin.f32 v55, v13;
	(xrf1) =	vsort.dscd.msk.f32 $0xffff, v15, v15;
	v8, _, _ =	vpop (xrf1)  }
0x1b9: {  	(xrf1) =	vsort.dscd.msk.f32 $0xffff, v20, v20;
	v20 =	vmin.f32 v5, v61;
	v5 =	vmax.f32 v19, v3;
	v4, _, _ =	vpop (xrf1)  }
0x1ba: {  	s31 =	sadd.s32 s21, s26;
	v62 =	vmin.f32 v31, v21;
	v3 =	vmin.f32 v19, v3;
	(xrf1) =	vsort.dscd.msk.f32 $0xffff, v5, v5;
	v15, _, _ =	vpop (xrf1)  }
0x1bb: {  	v63 =	vperm.xlane v2, v0;
	v19 =	vld [tilespmem:s31+$0x0];
	v2 =	vmax.f32 v23, v20;
	(xrf1) =	vsort.dscd.msk.f32 $0xffff, v3, v3;
	v13, _, _ =	vpop (xrf1)  }
0x1bc: {  	v21 =	vmin.f32 v60, v56;
	v11 =	vmin.f32 v17, v18;
	(xrf1) =	vsort.dscd.msk.f32 $0xffff, v10, v10;
	v5, _, _ =	vpop (xrf1)  }
0x1bd: {  	v22 =	vmin.f32 v23, v20;
	v20 =	vmin.f32 v12, v58;
	(xrf1) =	vsort.dscd.msk.f32 $0xffff, v2, v2;
	v3, _, _ =	vpop (xrf1)  }
0x1be: {  	s21 =	sshll.u32 s17, $0x1;
	s26 =	simm.s32 $0x140;
	s22 =	simm.s32 $0xA00;
	v12 =	vmax.f32 v1, v63;
	v10 =	vmin.f32 v14, v9;
	(xrf1) =	vsort.dscd.msk.f32 $0xffff, v62, v62;
	v2, _, _ =	vpop (xrf1)  }
.LBB2_8:
0x1bf: {  	s0 =	sand.u32 $0x40, s26  }
0x1c0: {  	s1 =	sand.u32 $0x7C00, s22;
	(xrf1) =	vsort.dscd.msk.f32 $0xffff, v19, v19;
	v1, _, _ =	vpop (xrf1);
	v9 =	vmax.f32 v14, v9;
	v14 =	vmin.f32 v7, v20;
	s12 =	smov.u32 s26;
	s23 =	sadd.s32 $0x40, s26  }
0x1c1: {  	v17 =	vmax.f32 v17, v18;
	v18 =	vmin.f32 v16, v12;
	s1 =	sor.u32 $0x8000, s1;
	s12 =	sor.u32 $0x10, s0;
	s28 =	sor.u32 $0x20, s0;
	v19, _, _ =	vpop (xrf1);
	(xrf1) =	vsort.dscd.msk.f32 $0xffff, v22, v22  }
0x1c2: {  	s24 =	sor.u32 $0x30, s0;
	s29 =	sadd.s32 s19, s1;
	s1 =	sadd.s32 s20, s1;
	v19 =	vperm.xlane v19, v0;
	v22, _, _ =	vpop (xrf1);
	(xrf1) =	vsort.dscd.msk.f32 $0xffff, v9, v9;
	v9 =	vmax.f32 v16, v12  }
0x1c3: {  	s25 =	sadd.s32 s24, s29;
	s30 =	sadd.s32 s12, s1;
	s31 =	sadd.s32 s24, s1;
	v12 =	vperm.xlane v22, v0;
	(xrf1) =	vsort.dscd.msk.f32 $0xffff, v21, v21;
	v16, _, _ =	vpop (xrf1);
	v21 =	vmin.f32 v9, v17  }
0x1c4: {  	s12 =	sadd.s32 s12, s29;
	s24 =	sadd.s32 s28, s29;
	s28 =	sadd.s32 s28, s1;
	v9 =	vmax.f32 v9, v17;
	v17 =	vmin.f32 v18, v11;
	v22 =	vld [tilespmem:s31+$0x0];
	v23, _, _ =	vpop (xrf1);
	(xrf1) =	vsort.dscd.msk.f32 $0xffff, v21, v21  }
0x1c5: {  	p0 =	sne.s32 s26, $0xFC0;
	v15 =	vperm.xlane v15, v0;
	s29 =	sadd.s32 s0, s29;
	s0 =	sadd.s32 s0, s1;
	v21 =	vld [tilespmem:s12+$0x0];
	v24, _, _ =	vpop (xrf1);
	v23 =	vperm.xlane v23, v0;
	(xrf1) =	vsort.dscd.msk.f32 $0xffff, v17, v17  }
0x1c6: {  	v7 =	vmax.f32 v7, v20;
	v11 =	vmax.f32 v18, v11;
	v17 =	vld [tilespmem:s28+$0x0];
	(xrf1) =	vsort.dscd.msk.f32 $0xffff, v9, v9;
	v18, _, _ =	vpop (xrf1)  }
0x1c7: {  	v25 =	vmax.f32 v13, v15;
	v9 =	vmin.f32 v13, v15;
	v20 =	vld [tilespmem:s30+$0x0];
	v13, _, _ =	vpop (xrf1);
	(xrf1) =	vsort.dscd.msk.f32 $0xffff, v7, v7  }
0x1c8: {  	v7 =	vmax.f32 v1, v23;
	v26 =	vld [tilespmem:s29+$0x0];
	v27 =	vperm.xlane v13, v0;
	(xrf1) =	vsort.dscd.msk.f32 $0xffff, v14, v14  }
0x1c9: {  	v8 =	vperm.xlane v8, v0;
	v6 =	vperm.xlane v6, v0;
	v13, _, _ =	vpop (xrf1);
	(xrf1) =	vsort.dscd.msk.f32 $0xffff, v11, v11  }
0x1ca: {  	v29 =	vperm.xlane v16, v0;
	(xrf1) =	vsort.dscd.msk.f32 $0xffff, v9, v9;
	v9 =	vmax.f32 v2, v27;
	v14, _, _ =	vpop (xrf1)  }
0x1cb: {  	v28 =	vmax.f32 v5, v6;
	v15 =	vld [tilespmem:s0+$0x0];
	v16, _, _ =	vpop (xrf1);
	v14 =	vperm.xlane v14, v0;
	(xrf1) =	vsort.dscd.msk.f32 $0xffff, v10, v10  }
0x1cc: {  	v10 =	vmax.f32 v28, v7;
	(xrf1) =	vsort.dscd.msk.f32 $0xffff, v20, v20;
	v20 =	vmin.f32 v28, v7;
	v7, _, _ =	vpop (xrf1)  }
0x1cd: {  	(xrf1) =	vsort.dscd.msk.f32 $0xffff, v10, v10;
	v10 =	vmax.f32 v18, v14;
	v28 =	vmax.f32 v7, v29;
	v11, _, _ =	vpop (xrf1)  }
0x1ce: {  	v7 =	vmax.f32 v16, v19;
	(xrf1) =	vsort.dscd.msk.f32 $0xffff, v22, v22;
	v29, _, _ =	vpop (xrf1)  }
0x1cf: {  	v14 =	vmin.f32 v16, v19;
	v19 =	vmax.f32 v24, v8;
	(xrf1) =	vsort.dscd.msk.f32 $0xffff, v17, v17;
	v17, _, _ =	vpop (xrf1)  }
0x1d0: {  	v13 =	vperm.xlane v13, v0;
	v8 =	vmin.f32 v24, v8;
	v18 =	vld [tilespmem:s25+$0x0];
	(xrf1) =	vsort.dscd.msk.f32 $0xffff, v19, v19;
	v16, _, _ =	vpop (xrf1)  }
0x1d1: {  	v4 =	vperm.xlane v4, v0;
	v5 =	vmin.f32 v5, v6;
	(xrf1) =	vsort.dscd.msk.f32 $0xffff, v7, v7;
	v6, _, _ =	vpop (xrf1)  }
0x1d2: {  	v22 =	vmax.f32 v29, v12;
	v19 =	vld [tilespmem:s24+$0x0];
	(xrf1) =	vsort.dscd.msk.f32 $0xffff, v14, v14;
	v30 =	vperm.xlane v6, v0;
	v24, _, _ =	vpop (xrf1)  }
0x1d3: {  	v4 =	vmax.f32 v17, v4;
	(xrf1) =	vsort.dscd.msk.f32 $0xffff, v8, v8;
	v8 =	vperm.xlane v16, v0;
	v16, _, _ =	vpop (xrf1)  }
0x1d4: {  	(xrf1) =	vsort.dscd.msk.f32 $0xffff, v21, v21;
	v14 =	vmax.f32 v3, v30;
	v7 =	vmin.f32 v3, v30;
	v3, _, _ =	vpop (xrf1)  }
0x1d5: {  	v13 =	vmax.f32 v11, v13;
	v21 =	vmax.f32 v10, v28;
	(xrf1) =	vsort.dscd.msk.f32 $0xffff, v18, v18;
	v6, _, _ =	vpop (xrf1)  }
0x1d6: {  	(xrf1) =	vsort.dscd.msk.f32 $0xffff, v20, v20;
	v11 =	vperm.xlane v6, v0;
	v20 =	vmax.f32 v13, v4;
	v6, _, _ =	vpop (xrf1)  }
0x1d7: {  	(xrf1) =	vsort.dscd.msk.f32 $0xffff, v25, v25;
	v25 =	vperm.xlane v6, v0;
	v30 =	vmax.f32 v21, v20;
	v31, _, _ =	vpop (xrf1)  }
0x1d8: {  	v18 =	vmax.f32 v16, v8;
	(xrf1) =	vsort.dscd.msk.f32 $0xffff, v15, v15;
	v6, _, _ =	vpop (xrf1);
	v17 =	vmax.f32 v24, v11  }
0x1d9: {  	v16 =	vmax.f32 v3, v25;
	v11 =	vmin.f32 v17, v18;
	v3, _, _ =	vpop (xrf1);
	(xrf1) =	vsort.dscd.msk.f32 $0xffff, v30, v30  }
0x1da: {  	v1 =	vmin.f32 v1, v23;
	v23 =	vmin.f32 v13, v4;
	v8, _, _ =	vpop (xrf1);
	(xrf1) =	vsort.dscd.msk.f32 $0xffff, v22, v22  }
0x1db: {  	v24 =	vmin.f32 v10, v28;
	v30 =	vmax.f32 v5, v1;
	v25 =	vmin.f32 v21, v20;
	v4, _, _ =	vpop (xrf1)  }
.Ltmp2:
0x1dc: {  	v1 =	vmin.f32 v5, v1;
	v22 =	vmin.f32 v24, v23;
	v15, _, _ =	vpop (xrf1);
	(xrf1) =	vsort.dscd.msk.f32 $0xffff, v30, v30;
	(pc) =	sbr.rel @p0 .LBB2_8-.Ltmp2, $4  }
0x1dd: {  	v10 =	vmin.f32 v14, v9;
	v21 =	vmin.f32 v29, v12;
	v13, _, _ =	vpop (xrf1);
	(xrf1) =	vsort.dscd.msk.f32 $0xffff, v1, v1  }
0x1de: {  	v12 =	vmax.f32 v24, v23;
	v1 =	vperm.xlane v3, v0;
	(xrf1) =	vsort.dscd.msk.f32 $0xffff, v26, v26;
	v5, _, _ =	vpop (xrf1)  }
0x1df: {  	v3, _, _ =	vpop (xrf1);
	(xrf1) =	vsort.dscd.msk.f32 $0xffff, v12, v12  }
0x1e0: {  	s22 =	sadd.s32 $0x200, s22;
	s26 =	smov.u32 s23;
	v20 =	vmin.f32 v2, v27;
	v12 =	vmax.f32 v31, v1;
	v2, _, _ =	vpop (xrf1);
	(xrf1) =	vsort.dscd.msk.f32 $0xffff, v25, v25  }
0x1e1: {  	(xrf1) =	vsort.dscd.msk.f32 $0xffff, v19, v19  }
0x1e2: {  	v1, _, _ =	vpop (xrf1);
	v9 =	vmax.f32 v14, v9;
	(xrf1) =	vsort.dscd.msk.f32 $0xffff, v22, v22  }
0x1e3: {  	v17 =	vmax.f32 v17, v18;
	v25 =	vmax.f32 v16, v12;
	v24, _, _ =	vpop (xrf1);
	(xrf1) =	vsort.dscd.msk.f32 $0xffff, v9, v9  }
0x1e4: {  	v26 =	vmin.f32 v16, v12;
	v18 =	vmin.f32 v25, v17;
	v27, _, _ =	vpop (xrf1);
	(xrf1) =	vsort.dscd.msk.f32 $0xffff, v21, v21  }
0x1e5: {  	v32 =	vmax.f32 v7, v20;
	v29 =	vmin.f32 v26, v11;
	v28, _, _ =	vpop (xrf1);
	(xrf1) =	vsort.dscd.msk.f32 $0xffff, v18, v18  }
0x1e6: {  	v33 =	vmin.f32 v7, v20;
	v9 =	vmax.f32 v25, v17;
	v30, _, _ =	vpop (xrf1);
	(xrf1) =	vsort.dscd.msk.f32 $0xffff, v29, v29  }
0x1e7: {  	v15 =	vperm.xlane v15, v0;
	v6 =	vperm.xlane v6, v0;
	v31, _, _ =	vpop (xrf1);
	(xrf1) =	vsort.dscd.msk.f32 $0xffff, v9, v9  }
0x1e8: {  	v8 =	vperm.xlane v8, v0;
	v4 =	vperm.xlane v4, v0;
	v34, _, _ =	vpop (xrf1);
	(xrf1) =	vsort.dscd.msk.f32 $0xffff, v32, v32  }
0x1e9: {  	v39 =	vmax.f32 v26, v11;
	v14 =	vperm.xlane v24, v0;
	v35, _, _ =	vpop (xrf1);
	(xrf1) =	vsort.dscd.msk.f32 $0xffff, v33, v33  }
0x1ea: {  	v40 =	vmax.f32 v13, v15;
	v41 =	vmin.f32 v13, v15;
	v23 =	vmax.f32 v5, v6;
	v38, _, _ =	vpop (xrf1)  }
0x1eb: {  	v53 =	vmin.f32 v5, v6;
	v36 =	vperm.xlane v27, v0;
	(xrf1) =	vsort.dscd.msk.f32 $0xffff, v39, v39;
	v42, _, _ =	vpop (xrf1)  }
0x1ec: {  	v19 =	vperm.xlane v28, v0;
	v37 =	vperm.xlane v30, v0;
	v43, _, _ =	vpop (xrf1);
	(xrf1) =	vsort.dscd.msk.f32 $0xffff, v41, v41  }
0x1ed: {  	v49 =	vmax.f32 v31, v8;
	v8 =	vmin.f32 v31, v8;
	v45, _, _ =	vpop (xrf1);
	(xrf1) =	vsort.dscd.msk.f32 $0xffff, v10, v10  }
0x1ee: {  	v44 =	vmax.f32 v1, v37;
	v1 =	vmin.f32 v1, v37;
	v20 =	vperm.xlane v35, v0;
	v24, _, _ =	vpop (xrf1)  }
0x1ef: {  	v46 =	vmax.f32 v23, v44;
	v21 =	vmin.f32 v23, v44;
	v31 =	vmax.f32 v53, v1;
	v25, _, _ =	vpop (xrf1)  }
0x1f0: {  	v1 =	vmin.f32 v53, v1;
	v22 =	vmax.f32 v2, v20;
	v52 =	vperm.xlane v38, v0;
	v47, _, _ =	vpop (xrf1)  }
0x1f1: {  	v2 =	vmin.f32 v2, v20;
	v15 =	vperm.xlane v42, v0;
	(xrf1) =	vsort.dscd.msk.f32 $0xffff, v46, v46;
	v50, _, _ =	vpop (xrf1)  }
0x1f2: {  	v48 =	vmax.f32 v43, v14;
	v11 =	vmin.f32 v43, v14;
	(xrf1) =	vsort.dscd.msk.f32 $0xffff, v49, v49;
	v51, _, _ =	vpop (xrf1)  }
0x1f3: {  	v9 =	vmax.f32 v34, v15;
	v13 =	vmax.f32 v45, v19;
	(xrf1) =	vsort.dscd.msk.f32 $0xffff, v48, v48;
	v54, _, _ =	vpop (xrf1)  }
0x1f4: {  	v17 =	vmax.f32 v24, v52;
	v62 =	vmax.f32 v9, v13;
	(xrf1) =	vsort.dscd.msk.f32 $0xffff, v11, v11;
	v56, _, _ =	vpop (xrf1)  }
0x1f5: {  	v9 =	vmin.f32 v9, v13;
	v4 =	vmax.f32 v47, v4;
	(xrf1) =	vsort.dscd.msk.f32 $0xffff, v8, v8;
	v59, _, _ =	vpop (xrf1)  }
0x1f6: {  	v57 =	vmax.f32 v25, v36;
	v24 =	vmax.f32 v17, v4;
	(xrf1) =	vsort.dscd.msk.f32 $0xffff, v21, v21;
	v61, _, _ =	vpop (xrf1)  }
0x1f7: {  	v36 =	vmin.f32 v25, v36;
	v29 =	vmax.f32 v62, v24;
	v63, _, _ =	vpop (xrf1);
	(xrf1) =	vsort.dscd.msk.f32 $0xffff, v40, v40  }
0x1f8: {  	v58 =	vperm.xlane v50, v0;
	v55 =	vperm.xlane v51, v0;
	(xrf1) =	vsort.dscd.msk.f32 $0xffff, v29, v29  }
0x1f9: {  	v4 =	vmin.f32 v17, v4;
	v35 =	vmin.f32 v62, v24;
	v30, _, _ =	vpop (xrf1);
	(xrf1) =	vsort.dscd.msk.f32 $0xffff, v57, v57  }
0x1fa: {  	v60 =	vmax.f32 v3, v55;
	v8 =	vmax.f32 v56, v58;
	v32, _, _ =	vpop (xrf1);
	(xrf1) =	vsort.dscd.msk.f32 $0xffff, v31, v31  }
0x1fb: {  	v19 =	vperm.xlane v61, v0;
	v34, _, _ =	vpop (xrf1);
	(xrf1) =	vsort.dscd.msk.f32 $0xffff, v1, v1;
	v1 =	vmax.f32 v9, v4  }
0x1fc: {  	v28 =	vperm.xlane v63, v0;
	(xrf1) =	vsort.dscd.msk.f32 $0xffff, v1, v1;
	v1 =	vmin.f32 v9, v4  }
0x1fd: {  	v3 =	vmin.f32 v3, v55;
	v38 =	vmax.f32 v60, v22;
	v13 =	vperm.xlane v34, v0  }
0x1fe: {  	v6 =	vmax.f32 v54, v19;
	v12 =	vmax.f32 v59, v28;
	(xrf1) =	vsort.dscd.msk.f32 $0xffff, v35, v35  }
0x1ff: {  	v33 =	vmin.f32 v6, v8;
	v37 =	vmax.f32 v30, v13;
	(xrf1) =	vsort.dscd.msk.f32 $0xffff, v1, v1;
	v1, _, _ =	vpop (xrf1)  }
0x200: {  	v6 =	vmax.f32 v6, v8;
	(xrf1) =	vsort.dscd.msk.f32 $0xffff, v38, v38;
	v39 =	vmax.f32 v12, v37;
	v40, _, _ =	vpop (xrf1)  }
0x201: {  	v7 =	vmin.f32 v12, v37;
	(xrf1) =	vsort.dscd.msk.f32 $0xffff, v36, v36;
	v41 =	vmin.f32 v39, v6;
	v42, _, _ =	vpop (xrf1)  }
0x202: {  	v45 =	vmax.f32 v3, v2;
	v12 =	vmin.f32 v7, v33;
	(xrf1) =	vsort.dscd.msk.f32 $0xffff, v41, v41;
	v43, _, _ =	vpop (xrf1)  }
0x203: {  	v2 =	vmin.f32 v3, v2;
	v6 =	vmax.f32 v39, v6;
	(xrf1) =	vsort.dscd.msk.f32 $0xffff, v12, v12;
	v44, _, _ =	vpop (xrf1)  }
0x204: {  	(xrf1) =	vsort.dscd.msk.f32 $0xffff, v6, v6;
	v3, _, _ =	vpop (xrf1)  }
0x205: {  	(xrf1) =	vsort.dscd.msk.f32 $0xffff, v45, v45;
	v46, _, _ =	vpop (xrf1)  }
0x206: {  	(xrf1) =	vsort.dscd.msk.f32 $0xffff, v2, v2;
	v2, _, _ =	vpop (xrf1)  }
0x207: {  	v5 =	vmax.f32 v7, v33;
	v47, _, _ =	vpop (xrf1)  }
0x208: {  	v10 =	vmin.f32 v60, v22;
	v48, _, _ =	vpop (xrf1);
	(xrf1) =	vsort.dscd.msk.f32 $0xffff, v5, v5  }
0x209: {  	(xrf1) =	vsort.dscd.msk.f32 $0xffff, v10, v10  }
0x20a: {  	v51 =	vperm.xlane v32, v0  }
0x20b: {  	v6 =	vperm.xlane v46, v0;
	v49, _, _ =	vpop (xrf1)  }
0x20c: {  	v1 =	vperm.xlane v1, v0;
	v55 =	vmax.f32 v40, v51;
	v9 =	vmin.f32 v40, v51;
	v50, _, _ =	vpop (xrf1)  }
0x20d: {  	v3 =	vperm.xlane v3, v0;
	v12 =	vperm.xlane v47, v0;
	v54 =	vmax.f32 v44, v6;
	v52, _, _ =	vpop (xrf1)  }
0x20e: {  	v6 =	vmin.f32 v44, v6;
	v58 =	vmax.f32 v55, v54;
	v16 =	vmin.f32 v55, v54;
	v53, _, _ =	vpop (xrf1)  }
0x20f: {  	v7 =	vperm.xlane v48, v0;
	v32 =	vmax.f32 v9, v6;
	v5 =	vperm.xlane v49, v0;
	v56, _, _ =	vpop (xrf1)  }
0x210: {  	v57 =	vmax.f32 v43, v12;
	(xrf1) =	vsort.dscd.msk.f32 $0xffff, v58, v58;
	v3 =	vmax.f32 v50, v3;
	v59, _, _ =	vpop (xrf1)  }
0x211: {  	v2 =	vmax.f32 v2, v5;
	v7 =	vmax.f32 v52, v7;
	v1 =	vmax.f32 v53, v1;
	v60, _, _ =	vpop (xrf1)  }
0x212: {  	v27 =	vmax.f32 v2, v3;
	v2 =	vmin.f32 v2, v3;
	v3 =	vmin.f32 v9, v6;
	v62, _, _ =	vpop (xrf1)  }
0x213: {  	v24 =	vperm.xlane v56, v0;
	v29 =	vmax.f32 v7, v1;
	v1 =	vmin.f32 v7, v1;
	v63, _, _ =	vpop (xrf1)  }
0x214: {  	v61 =	vperm.xlane v59, v0;
	v30 =	vmax.f32 v27, v29;
	v34 =	vmax.f32 v2, v1;
	v26, _, _ =	vpop (xrf1)  }
0x215: {  	v35 =	vmin.f32 v27, v29;
	v1 =	vmin.f32 v2, v1;
	(xrf1) =	vsort.dscd.msk.f32 $0xffff, v16, v16;
	v28, _, _ =	vpop (xrf1)  }
0x216: {  	v25 =	vmax.f32 v42, v61;
	v18 =	vperm.xlane v26, v0;
	(xrf1) =	vsort.dscd.msk.f32 $0xffff, v30, v30;
	v31, _, _ =	vpop (xrf1)  }
0x217: {  	v13 =	vmax.f32 v62, v24;
	v21 =	vperm.xlane v28, v0;
	(xrf1) =	vsort.dscd.msk.f32 $0xffff, v32, v32;
	v33, _, _ =	vpop (xrf1)  }
0x218: {  	v17 =	vmax.f32 v60, v18;
	(xrf1) =	vsort.dscd.msk.f32 $0xffff, v3, v3;
	v3 =	vperm.xlane v33, v0  }
0x219: {  	v10 =	vmax.f32 v63, v21;
	v18 =	vmin.f32 v17, v13;
	(xrf1) =	vsort.dscd.msk.f32 $0xffff, v34, v34  }
0x21a: {  	v36 =	vmax.f32 v17, v13;
	(xrf1) =	vsort.dscd.msk.f32 $0xffff, v35, v35;
	v2 =	vmax.f32 v31, v3  }
0x21b: {  	v3 =	vmax.f32 v25, v57;
	(xrf1) =	vsort.dscd.msk.f32 $0xffff, v1, v1;
	v1 =	vmax.f32 v10, v2  }
0x21c: {  	v2 =	vmin.f32 v10, v2;
	(xrf1) =	vsort.dscd.msk.f32 $0xffff, v3, v3;
	v3 =	vmin.f32 v1, v36  }
0x21d: {  	v5 =	vmin.f32 v42, v61;
	v37 =	vmin.f32 v2, v18;
	(xrf1) =	vsort.dscd.msk.f32 $0xffff, v3, v3  }
0x21e: {  	v1 =	vmax.f32 v1, v36;
	v3 =	vmin.f32 v43, v12;
	(xrf1) =	vsort.dscd.msk.f32 $0xffff, v37, v37  }
0x21f: {  	(xrf1) =	vsort.dscd.msk.f32 $0xffff, v1, v1;
	v1 =	vmin.f32 v5, v3  }
0x220: {  	v4 =	vmax.f32 v5, v3  }
0x221: {  	(xrf1) =	vsort.dscd.msk.f32 $0xffff, v4, v4  }
0x222: {  	v2 =	vmax.f32 v2, v18;
	(xrf1) =	vsort.dscd.msk.f32 $0xffff, v1, v1;
	v1, _, _ =	vpop (xrf1)  }
0x223: {  	v3 =	vmin.f32 v25, v57;
	v38, _, _ =	vpop (xrf1);
	(xrf1) =	vsort.dscd.msk.f32 $0xffff, v2, v2  }
0x224: {  	(xrf1) =	vsort.dscd.msk.f32 $0xffff, v3, v3  }
0x225: {  	v2, _, _ =	vpop (xrf1)  }
0x226: {  	v3, _, _ =	vpop (xrf1)  }
0x227: {  	v39, _, _ =	vpop (xrf1)  }
0x228: {  	v40, _, _ =	vpop (xrf1)  }
0x229: {  	v41, _, _ =	vpop (xrf1)  }
0x22a: {  	v42, _, _ =	vpop (xrf1)  }
0x22b: {  	v43, _, _ =	vpop (xrf1)  }
0x22c: {  	v4 =	vperm.xlane v38, v0;
	v5 =	vperm.xlane v39, v0;
	v44, _, _ =	vpop (xrf1)  }
0x22d: {  	v1 =	vperm.xlane v1, v0;
	v3 =	vperm.xlane v3, v0;
	v45, _, _ =	vpop (xrf1)  }
0x22e: {  	v4 =	vmax.f32 v40, v4;
	v2 =	vmax.f32 v2, v5;
	v46, _, _ =	vpop (xrf1)  }
0x22f: {  	v3 =	vmax.f32 v41, v3;
	v1 =	vmax.f32 v42, v1;
	v50 =	vmax.f32 v2, v4;
	v47, _, _ =	vpop (xrf1)  }
0x230: {  	v2 =	vmin.f32 v2, v4;
	v48 =	vperm.xlane v43, v0;
	v51 =	vmax.f32 v3, v1;
	v49, _, _ =	vpop (xrf1)  }
0x231: {  	v1 =	vmin.f32 v3, v1;
	v53 =	vmax.f32 v50, v51;
	v55 =	vmin.f32 v50, v51;
	v52, _, _ =	vpop (xrf1)  }
0x232: {  	v56 =	vmax.f32 v2, v1;
	v5 =	vperm.xlane v47, v0;
	v8 =	vperm.xlane v49, v0;
	v54, _, _ =	vpop (xrf1)  }
0x233: {  	v1 =	vmin.f32 v2, v1;
	v6 =	vmax.f32 v45, v48;
	v3 =	vperm.xlane v54, v0  }
0x234: {  	v5 =	vmax.f32 v44, v5;
	(xrf1) =	vsort.dscd.msk.f32 $0xffff, v53, v53;
	v8 =	vmax.f32 v46, v8  }
0x235: {  	v11 =	vmin.f32 v5, v6;
	(xrf1) =	vsort.dscd.msk.f32 $0xffff, v56, v56;
	v2 =	vmax.f32 v52, v3  }
0x236: {  	(xrf1) =	vsort.dscd.msk.f32 $0xffff, v55, v55;
	v3 =	vmax.f32 v5, v6;
	v57 =	vmax.f32 v8, v2  }
0x237: {  	(xrf1) =	vsort.dscd.msk.f32 $0xffff, v1, v1;
	v2 =	vmin.f32 v8, v2;
	v1 =	vmin.f32 v57, v3  }
0x238: {  	v58 =	vmin.f32 v2, v11;
	(xrf1) =	vsort.dscd.msk.f32 $0xffff, v1, v1  }
0x239: {  	v1 =	vmax.f32 v57, v3;
	(xrf1) =	vsort.dscd.msk.f32 $0xffff, v58, v58  }
0x23a: {  	(xrf1) =	vsort.dscd.msk.f32 $0xffff, v1, v1;
	v1 =	vmax.f32 v2, v11  }
0x23b: {  	(xrf1) =	vsort.dscd.msk.f32 $0xffff, v1, v1;
	_ =	sdelay $0x6  }
0x23c: {  	v1, _, _ =	vpop (xrf1)  }
0x23d: {  	v2, _, _ =	vpop (xrf1)  }
0x23e: {  	s0 =	sadd.s32 s16, s21;
	v3, _, _ =	vpop (xrf1)  }
0x23f: {  	s0 =	sshll.u32 s0, $0x7;
	v59, _, _ =	vpop (xrf1)  }
0x240: {  	s0 =	sand.u32 $0x3FFFFF80, s0;
	v60, _, _ =	vpop (xrf1)  }
0x241: {  	v61, _, _ =	vpop (xrf1);
	[tilespmem:s0+$0x10010] =	vst v60  }
0x242: {  	s1 =	sadd.s32 s16, s18;
	s17 =	sadd.s32 $0x1, s17;
	v62, _, _ =	vpop (xrf1);
	[tilespmem:s0+$0x10030] =	vst v61  }
0x243: {  	s1 =	sshll.u32 s1, $0x7;
	p0 =	sne.s32 s17, $0x4;
	[tilespmem:s0+$0x10000] =	vst v62;
	v63, _, _ =	vpop (xrf1)  }
.Ltmp3:
0x244: {  	s31 =	sand.u32 $0x3FFFFF80, s1;
	[tilespmem:s0+$0x10020] =	vst v63;
	(pc) =	sbr.rel @p0 .LBB2_7-.Ltmp3, $4  }
0x245: {  	[tilespmem:s31+$0x10000] =	vst v1  }
0x246: {  	[tilespmem:s31+$0x10010] =	vst v3  }
0x247: {  	[tilespmem:s31+$0x10020] =	vst v2  }
0x248: {  	[tilespmem:s31+$0x10030] =	vst v59  }
0x249: {  	s15 =	sadd.s32 $0x1, s15  }
0x24a: {  	p0 =	sne.s32 s15, $0x8  }
.Ltmp4:
0x24b: {  	_ = 	snop;
	(pc) =	sbr.rel @p0 .LBB2_2-.Ltmp4, $1  }
0x24c: {  	_ =	sdelay $0x3  }
0x24d: {  	s14 =	sadd.s32 $0x1, s14  }
0x24e: {  	p0 =	sne.s32 s14, s8  }
.Ltmp5:
0x24f: {  	s0 =	simm.s32 $0x10000;
	(pc) =	sbr.rel @p0 .LBB2_1-.Ltmp5, $4  }
0x250: {  	[hbm4b:s7+s2] =	stream.linear.scatter [tilespmem:s0], [sflag:$0x3], $0x4000, $0x38;
	[tilespmem:$0x14000] =	vst v63  }
0x251: {  	_ =	swait.ge [sflag:s13], $0x4000  }
0x252: {  	[sflag:s13] =	ssyncset.done $0x0  }
0x253: {  	[sflag:s13] =	ssyncadd.s32 $0xFFFFC000  }
0x254: {  	_ =	sfence.sel $0x180000  }
0x255: {  	[bflag:$0x0] =	sbarrier.arrive $0xFFFF  }
0x256: {  	_ =	strace $0x9000004A  }
0x257: {  	s0 =	stileid.u32;
	[bflag:$0x2] =	sbarrier.arrive $0xFFFF  }
0x258: {  	p0 =	sne.s32 s0, $0x0;
	s0 =	rddreg [dreg:$0x1]  }
0x259: {  	s0 =	sadd.s32 @!p0 $0x100000, s0  }
0x25a: {  	[sflag:s0] =	ssyncadd.tile.s32 @!p0 $0x1;
	_ =	shalt  }
.Lfunc_end2:
_tile_overlayer_lowered:
.L_overlay_start_2:
0x25b: {  	(tag) =	ssettag $0x2  }
0x25c: {  	s0 =	rddreg [dreg:$0x0];
	s2 =	stileid.u32  }
0x25d: {  	s1 =	rddreg [dreg:$0x1];
	p0 =	sne.s32 s2, $0x0  }
0x25e: {  	s3 =	rddreg [dreg:$0x2];
	[bflag:$0x3] =	sbarrier.arrive $0xFFFF;
	s2 =	simm.s32 @!p0 $0x1C03  }
0x25f: {  	[timem:s3], [sflag:s2] =	dma.local @!p0 [hbm:s0], s1  }
0x260: {  	s0 =	simm.s32 @!p0 $0x3  }
0x261: {  	_ =	swait.ge @!p0 [sflag:s0], s1  }
0x262: {  	s1 =	ssub.s32 @!p0 $0x0, s1;
	[sflag:s0] =	ssyncset.done @!p0 $0x0  }
0x263: {  	[sflag:s0] =	ssyncadd.s32 @!p0 s1  }
0x264: {  	[bflag:$0x3] =	sbarrier.arrive $0xFFFF  }
0x265: {  	_ =	shalt  }

// kernel: sparse-core-data-format-call.cloned.1.call-start
scs
called_computation_lowered:
.L_overlay_start_0:
0x0: {  	s2 =	sld [smem:$0x3FD9]  }
0x1: {  	s3 =	sld [smem:$0x3FFE];
	_ =	sdelay $0x1  }
0x2: {  	s1 =	srdreg.scid  }
0x3: {  	s0 =	sand.u32 $0x1, s1  }
0x4: {  	s18 =	sshll.u32 s0, $0xA;
	s2 =	sadd.s32 s3, s2  }
0x5: {  	s2 =	sadd.s32 s2, s18  }
0x6: {  	[smem:$0x3FC7] =	sst s2  }
0x7: {  	_ = 	snop  }
0x8: {  	s2 =	sld [smem:$0x3FC9];
	(tm) =	ssettm $0x1  }
0x9: {  	s19 =	sld [smem:$0x3FFB];
	_ =	sdelay $0x3  }
0xa: {  	_ =	strace s19  }
0xb: {  	s3 =	sld [smem:$0x3FFC];
	_ =	sdelay $0x3  }
0xc: {  	_ =	strace s3  }
0xd: {  	s3 =	sld [smem:$0x3FFD];
	_ =	sdelay $0x3  }
0xe: {  	_ =	strace s3  }
0xf: {  	_ =	strace $0x8FFFFFFF  }
0x10: {  	s20 =	sld [smem:$0x3FDB];
	_ =	sdelay $0x1  }
0x11: {  	s4 =	simm.s32 $_scs_section_size  }
0x12: {  	s5 =	simm.s32 $_size__tile_overlayer_lowered;
	s6 =	simm.s32 $_tile_overlayer_lowered  }
0x13: {  	s23 =	simm.s32 $0x1BFF;
	s22 =	sshll.u32 s6, $0x1;
	s3 =	sadd.s32 s4, s20  }
0x14: {  	s7 =	simm.s32 $0x0;
	s21 =	sshll.u32 s5, $0x1;
	s5 =	sadd.s32 s22, s3  }
0x15: {  	[timem:s7], [sflag:s23] =	dma.local [hbm:s5], s21  }
0x16: {  	_ =	swait.ge [sflag:s23], s21  }
0x17: {  	s4 =	ssub.s32 $0x0, s21;
	[sflag:s23] =	ssyncset.done $0x0  }
0x18: {  	[sflag:s23] =	ssyncadd.s32 s4;
	_ =	sdelay $0x1  }
0x19: {  	s24 =	simm.s32 $0x1B8B  }
0x1a: {  	_ =	swait.ge [sflag:s24], $0x1  }
0x1b: {  	[sflag:s24] =	ssyncset.done $0x0  }
0x1c: {  	s26 =	simm.s32 $0x1B8E;
	s25 =	sld [smem:$0x3FFE];
	[sflag:s24] =	ssyncadd.s32 $0xFFFFFFFF  }
0x1d: {  	s27 =	simm.s32 $execute0_lowered;
	[smem:$0x3FD2] =	sst s26  }
0x1e: {  	s5 =	sshll.u32 s27, $0x1;
	_ =	strace $0x80000046;
	[dreg:$0x1] =	wrdreg $0xFFFFFFFF  }
0x1f: {  	s28 =	simm.s32 $_size_execute0_lowered;
	s3 =	sadd.s32 s3, s5;
	[dreg:$0x0] =	wrdreg $0x0  }
0x20: {  	s5 =	sshll.u32 s28, $0x1;
	[dreg:$0x2] =	wrdreg s3  }
0x21: {  	[dreg:$0x3] =	wrdreg s5  }
0x22: {  	[dreg:$0x4] =	wrdreg $0xC0  }
0x23: {  	_ =	task [dreg:s7], $0x5FFFF  }
0x24: {  	[dreg:$0x1] =	wrdreg $0xFFFFFFFF  }
0x25: {  	[dreg:$0x0] =	wrdreg $0x60  }
0x26: {  	[dreg:$0x2] =	wrdreg s2  }
0x27: {  	[dreg:$0x3] =	wrdreg s25  }
0x28: {  	[dreg:$0x4] =	wrdreg $0x9  }
0x29: {  	_ =	task.clear_ibuf [dreg:s7], $0x5FFFF;
	_ =	strace $0x90000046  }
0x2a: {  	s29 =	simm.s32 $0x9;
	_ =	strace $0x80000048  }
0x2b: {  	_ =	swait.ge [sflag:s29], $0x1  }
0x2c: {  	[sflag:s29] =	ssyncadd.s32 $0xFFFFFFFF  }
0x2d: {  	_ =	strace $0x90000048  }
0x2e: {  	_ =	sfence  }
0x2f: {  	s30 =	sld [smem:$0x0];
	_ =	sdelay $0x2  }
0x30: {  	s31 =	sshll.u32 s1, $0xD;
	s1 =	sshrl.u32 s1, $0x2  }
0x31: {  	s3 =	sand.u32 $0x4000, s31;
	s1 =	sadd.s32 s1, s30  }
0x32: {  	s0 =	sor.u32 s3, s0;
	s1 =	sshll.u32 s1, $0x11  }
0x33: {  	s0 =	sor.u32 s1, s0  }
0x34: {  	s0 =	sadd.s32 $0x8F2B, s0  }
0x35: {  	[sflag:s0] =	ssyncadd.remote.s32 $0x1  }
0x36: {  	_ =	sfence.sel $0xFFFF  }
0x37: {  	[dreg:$0x0] =	wrdreg $0xFFFFFFFF;
	(pc) =	sbr.abs _section_cstart, $3  }
0x38: {  	[dreg:$0x1] =	wrdreg $0xFFFFFFFF  }
0x39: {  	_ =	task.clear_ibuf [dreg:s7], $0x2FFFF;
	_ =	strace $0x9FFFFFFF  }
0x3a: {  	(tm) =	ssettm $0x7FFFFFFF  }
0x3b: {  	_ =	shalt  }
tec
execute0_lowered:
.L_overlay_start_1:
0x0: {  	(tag) =	ssettag $0x1  }
0x1: {  	s0 =	stileid.u32;
	s1 =	srdreg.scid  }
0x2: {  	s4 =	rddreg [dreg:$0x1];
	s7 =	simm.s32 $0x1;
	s31 =	simm.s32 $0x2  }
0x3: {  	s16 =	simm.s32 $0x0;
	s2 =	sshll.u32 s0, $0x5;
	s1 =	sshll.u32 s1, $0x9  }
0x4: {  	s9 =	simm.s32 $0x8000;
	s14 =	simm.s32 $0x0;
	s1 =	sor.u32 s2, s1  }
0x5: {  	s15 =	simm.s32 $0x0;
	s10 =	simm.s32 $0x0;
	s3 =	sand.u32 $0x380, s1  }
0x6: {  	s13 =	simm.s32 $0x0;
	s2 =	rddreg [dreg:$0x0];
	s5 =	ssub.s32 $0x1000, s3  }
0x7: {  	s4 =	sadd.s32 $0x800, s4;
	s1 =	rddreg [dreg:$0x2];
	s6 =	sand.u32 $0x380, s5  }
.Ltmp0:
0x8: {  	_ =	strace $0x80000047;
	p0 =	sne.s32 s6, $0x0;
	(pc) =	sbr.rel .LBB1_1-.Ltmp0, $4  }
0x9: {  	s11 =	smov.u32 s3;
	s8 =	sshrl.u32 s5, $0xA;
	s7 =	simm.s32 @!p0 $0x0  }
0xa: {  	s5 =	sand.u32 $0x3, s0;
	s6 =	simm.s32 $0x1;
	s7 =	sadd.s32 s7, s8  }
0xb: {  	s12 =	smov.u32 s5;
	[sflag:s6] =	ssyncpa.u1 $0x0;
	s7 =	sshll.u32 s7, $0x3  }
0xc: {  	p0 =	por $0x0, $0x0;
	[sflag:s31] =	ssyncpa.u1 $0x0;
	s8 =	sor.u32 $0x1, s7  }
.LBB1_4:
0xd: {  	v5 =	vld [tilespmem:s19+$0xFFFFFFD0]  }
0xe: {  	[tilespmem:s20+$0x2040 ss:$0x81] =	vst.msk $0xffff, v1;
	v58 =	vld [tilespmem:s19+$0xFFFFFFE0]  }
0xf: {  	[tilespmem:s20+$0x2850 ss:$0x81] =	vst.msk $0xffff, v2;
	v59 =	vld [tilespmem:s19+$0xFFFFFFF0]  }
0x10: {  	s21 =	sshra.s32 s21, $0x2;
	[tilespmem:s20+$0x3060 ss:$0x81] =	vst.msk $0xffff, v3;
	v60 =	vld [tilespmem:s19+$0x0]  }
0x11: {  	[tilespmem:s20+$0x0 ss:$0x81] =	vst.msk $0xffff, v0;
	v61 =	vld [tilespmem:s19+$0x10];
	s18 =	sadd.s32 s21, s18  }
0x12: {  	s26 =	sshll.u32 s16, $0xC;
	v62 =	vld [tilespmem:s19+$0x20];
	[tilespmem:s18+$0x3870 ss:$0x81] =	vst.msk $0xffff, v4  }
0x13: {  	s27 =	sand.u32 $0x78, s14;
	s22 =	sshll.u32 s14, $0x3;
	v63 =	vld [tilespmem:s19+$0xFFFFFFC0];
	s29 =	sshll.u32 s16, $0x7;
	[tilespmem:s18+$0x810 ss:$0x81] =	vst.msk $0xffff, v5  }
0x14: {  	s15 =	sshll.u32 s15, $0x13;
	s20 =	sand.u32 $0x3F8000, s26;
	s28 =	sand.u32 $0x3FFC00, s22;
	[tilespmem:s18+$0x1020 ss:$0x81] =	vst.msk $0xffff, v58  }
0x15: {  	s31 =	sand.u32 $0x7, s14;
	s22 =	sand.u32 $0xC00, s22;
	s19 =	sadd.s32 s28, s20;
	[tilespmem:s18+$0x1830 ss:$0x81] =	vst.msk $0xffff, v59  }
0x16: {  	s16 =	sand.u32 $0x380, s29;
	s30 =	sor.u32 s27, s22;
	s19 =	sshrl.u32 s19, $0x3;
	[tilespmem:s18+$0x2040 ss:$0x81] =	vst.msk $0xffff, v60  }
0x17: {  	s15 =	sadd.s32 s4, s15;
	s16 =	sor.u32 s16, s30;
	s19 =	sand.u32 $0x7FE00, s19;
	[tilespmem:s18+$0x2850 ss:$0x81] =	vst.msk $0xffff, v61  }
0x18: {  	s14 =	sshll.u32 s31, $0x12;
	s16 =	sshrl.u32 s16, $0x3;
	[tilespmem:s18+$0x3060 ss:$0x81] =	vst.msk $0xffff, v62;
	s15 =	sadd.s32 s19, s15  }
0x19: {  	s14 =	sor.u32 $0x400, s14;
	[tilespmem:s18+$0x0 ss:$0x81] =	vst.msk $0xffff, v63;
	s15 =	sadd.s32 s16, s15  }
0x1a: {  	[hbm4b:s15+s14] =	stream.strided.scatter [tilespmem:s17], [sflag:$0x2], $0x4000, s9, s14, $0x20;
	[tilespmem:$0x10100] =	vst v63  }
.LBB1_5:
0x1b: {  	s17 =	sadd.s32 $0x80, s10  }
0x1c: {  	s14 =	sadd.s32 $0x400, s11;
	s18 =	smov.u32 s11;
	p2 =	sgt.s32 s17, $0x3FF  }
0x1d: {  	s18 =	smov.u32 @p2 s14  }
0x1e: {  	s20 =	smov.u32 s12;
	s14 =	sadd.s32 $0x4, s12;
	p3 =	sgt.s32 s18, $0xFFF  }
0x1f: {  	s20 =	smov.u32 @p3 s14  }
0x20: {  	s17 =	simm.s32 @p2 $0x0;
	p2 =	sgt.s32 s20, $0x3  }
0x21: {  	p1 =	slt.u32 s13, $0x2;
	s20 =	smov.u32 @p2 s5;
	p2 =	sne.s32 s13, s8  }
.Ltmp1:
0x22: {  	s19 =	simm.s32 @!p1 $0x2;
	(pc) =	sbr.rel @!p2 .LBB1_6-.Ltmp1, $4  }
0x23: {  	s16 =	smov.u32 s10;
	s15 =	smov.u32 s12;
	_ =	swait.ge @!p1 [sflag:s19], $0x4000  }
0x24: {  	p0 =	por !p0, !p0;
	[sflag:s19] =	ssyncset.done @!p1 $0x0;
	s10 =	smov.u32 s17  }
0x25: {  	s18 =	smov.u32 @p3 s3;
	s14 =	smov.u32 s11;
	[sflag:s19] =	ssyncadd.s32 @!p1 $0xFFFFC000  }
0x26: {  	s11 =	smov.u32 s18;
	s13 =	sadd.s32 $0x1, s13;
	s12 =	smov.u32 s20  }
.LBB1_1:
0x27: {  	p1 =	sge.u32 s13, s7  }
0x28: {  	s31 =	sadd.s32 $0xFFFFFFFF, s13;
	s17 =	sshll.u32 @!p1 s11, $0x7  }
0x29: {  	s18 =	sxor.u32 @!p1 $0xFFFFFFFF, s13;
	s19 =	sand.u32 @!p1 $0x78, s10;
	s20 =	sand.u32 @!p1 $0x380, s17  }
0x2a: {  	s18 =	sshll.u32 @!p1 s18, $0xE;
	s19 =	sor.u32 @!p1 s19, s20;
	s20 =	sshll.u32 @!p1 s12, $0x13  }
0x2b: {  	s17 =	sand.u32 @!p1 $0x7FC00, s17;
	s19 =	sshrl.u32 @!p1 s19, $0x3;
	s20 =	sadd.s32 @!p1 s2, s20  }
0x2c: {  	s17 =	sadd.s32 @!p1 s10, s17;
	s19 =	sadd.s32 @!p1 s19, s20;
	s20 =	sand.u32 @!p1 $0x7, s10  }
0x2d: {  	s18 =	sand.u32 @!p1 $0x4000, s18;
	s17 =	sand.u32 @!p1 $0x7FF80, s17;
	s20 =	sshll.u32 @!p1 s20, $0x12  }
0x2e: {  	s17 =	sadd.s32 @!p1 s17, s19;
	s19 =	sor.u32 @!p1 $0x400, s20;
	s20 =	simm.s32 @!p1 $0x2000  }
0x2f: {  	[tilespmem:s18], [sflag:$0x1] =	stream.strided.gather @!p1 [hbm4b:s17+s19], $0x4000, s20, s19, $0x38;
	[tilespmem:$0x10100] =	vst v63  }
0x30: {  	p1 =	sge.u32 s31, s7  }
.Ltmp2:
0x31: {  	_ = 	snop;
	(pc) =	sbr.rel @p1 .LBB1_5-.Ltmp2, $1  }
0x32: {  	_ =	sdelay $0x3  }
0x33: {  	s17 =	simm.s32 $0x1  }
0x34: {  	_ =	swait.ge [sflag:s6], $0x4000;
	s17 =	simm.s32 @!p0 $0x0  }
0x35: {  	[sflag:s6] =	ssyncset.done $0x0;
	s18 =	sshll.u32 s17, $0xE  }
0x36: {  	[sflag:s6] =	ssyncadd.s32 $0xFFFFC000;
	s19 =	sor.u32 $0x40, s18  }
0x37: {  	s17 =	smul.u32 $0x10200, s17;
	v0 =	vld [tilespmem:s19+$0x30]  }
0x38: {  	v3 =	vld [tilespmem:s19+$0xFFFFFFD0]  }
0x39: {  	s17 =	sshrl.u32 s17, $0x2;
	v4 =	vld [tilespmem:s19+$0xFFFFFFE0]  }
0x3a: {  	v5 =	vld [tilespmem:s19+$0xFFFFFFF0];
	s18 =	sor.u32 $0x8000, s17  }
0x3b: {  	s31 =	sand.u32 $0x1, s13;
	v1 =	vld [tilespmem:s19+$0x0];
	s20 =	sadd.s32 $0x0, s18  }
0x3c: {  	v2 =	vld [tilespmem:s19+$0x10];
	s17 =	smul.u32 $0x10200, s31;
	[tilespmem:s20+$0x3870 ss:$0x81] =	vst.msk $0xffff, v0  }
0x3d: {  	[tilespmem:s20+$0x810 ss:$0x81] =	vst.msk $0xffff, v3;
	v3 =	vld [tilespmem:s19+$0x20]  }
0x3e: {  	s17 =	sshrl.u32 s17, $0x2;
	v0 =	vld [tilespmem:s19+$0xFFFFFFC0];
	[tilespmem:s20+$0x1020 ss:$0x81] =	vst.msk $0xffff, v4;
	s19 =	sadd.s32 $0x80, s19  }
0x3f: {  	s21 =	simm.s32 $0x4;
	s22 =	simm.s32 $0x8;
	s17 =	sor.u32 $0x8000, s17;
	[tilespmem:s20+$0x1830 ss:$0x81] =	vst.msk $0xffff, v5;
	v4 =	vld [tilespmem:s19+$0x30]  }
.LBB1_3:
0x40: {  	p1 =	sne.s32 s22, $0x1FC;
	v5 =	vld [tilespmem:s19+$0xFFFFFFD0];
	[tilespmem:s20+$0x2040 ss:$0x81] =	vst.msk $0xffff, v1  }
0x41: {  	v6 =	vld [tilespmem:s19+$0xFFFFFFE0];
	[tilespmem:s20+$0x2850 ss:$0x81] =	vst.msk $0xffff, v2  }
0x42: {  	s23 =	sshra.s32 s21, $0x2;
	s21 =	smov.u32 s22;
	v7 =	vld [tilespmem:s19+$0xFFFFFFF0];
	[tilespmem:s20+$0x3060 ss:$0x81] =	vst.msk $0xffff, v3  }
.Ltmp3:
0x43: {  	v1 =	vld [tilespmem:s19+$0x0];
	[tilespmem:s20+$0x0 ss:$0x81] =	vst.msk $0xffff, v0;
	s20 =	sadd.s32 s23, s18;
	(pc) =	sbr.rel @p1 .LBB1_3-.Ltmp3, $4  }
0x44: {  	v2 =	vld [tilespmem:s19+$0x10];
	[tilespmem:s20+$0x3870 ss:$0x81] =	vst.msk $0xffff, v4  }
0x45: {  	[tilespmem:s20+$0x810 ss:$0x81] =	vst.msk $0xffff, v5;
	v3 =	vld [tilespmem:s19+$0x20]  }
0x46: {  	v0 =	vld [tilespmem:s19+$0xFFFFFFC0];
	[tilespmem:s20+$0x1020 ss:$0x81] =	vst.msk $0xffff, v6;
	s19 =	sadd.s32 $0x80, s19  }
0x47: {  	s22 =	sadd.s32 $0x4, s22;
	v4 =	vld [tilespmem:s19+$0x30];
	[tilespmem:s20+$0x1830 ss:$0x81] =	vst.msk $0xffff, v7  }
.Ltmp4:
0x48: {  	_ = 	snop;
	(pc) =	sbr.rel .LBB1_4-.Ltmp4, $1  }
0x49: {  	_ =	sdelay $0x3  }
.LBB1_6:
0x4a: {  	_ =	sfence.sel $0x180000  }
0x4b: {  	s2 =	simm.s32 $0x1;
	[bflag:$0x0] =	sbarrier.arrive $0xFFFF  }
0x4c: {  	s31 =	simm.s32 $0x2;
	[sflag:s2] =	ssyncpa.u1 $0x1  }
0x4d: {  	[sflag:s31] =	ssyncpa.u1 $0x1  }
0x4e: {  	p0 =	sne.s32 s0, $0x0;
	_ =	strace $0x90000047  }
0x4f: {  	s0 =	sadd.s32 @!p0 $0x100000, s1;
	[bflag:$0x2] =	sbarrier.arrive $0xFFFF  }
0x50: {  	[sflag:s0] =	ssyncadd.tile.s32 @!p0 $0x1;
	_ =	shalt  }
.Lfunc_end1:
_tile_overlayer_lowered:
.L_overlay_start_2:
0x51: {  	(tag) =	ssettag $0x2  }
0x52: {  	s0 =	rddreg [dreg:$0x0];
	s2 =	stileid.u32  }
0x53: {  	s1 =	rddreg [dreg:$0x1];
	p0 =	sne.s32 s2, $0x0  }
0x54: {  	s3 =	rddreg [dreg:$0x2];
	[bflag:$0x3] =	sbarrier.arrive $0xFFFF;
	s2 =	simm.s32 @!p0 $0x1C01  }
0x55: {  	[timem:s3], [sflag:s2] =	dma.local @!p0 [hbm:s0], s1  }
0x56: {  	s0 =	simm.s32 @!p0 $0x1  }
0x57: {  	_ =	swait.ge @!p0 [sflag:s0], s1  }
0x58: {  	s1 =	ssub.s32 @!p0 $0x0, s1;
	[sflag:s0] =	ssyncset.done @!p0 $0x0  }
0x59: {  	[sflag:s0] =	ssyncadd.s32 @!p0 s1  }
0x5a: {  	[bflag:$0x3] =	sbarrier.arrive $0xFFFF  }
0x5b: {  	_ =	shalt  }

</sc_bundles>
